<compile_context>
chip_gen: v7x
topology: tpu7x:2x2x1
jax: 0.10.2.dev20260603
libtpu: 0.0.44.dev20260713+nightly
codegen_flags: <defaults>
</compile_context>

<pallas_src>
import functools

import jax
import jax.numpy as jnp
from jax import lax
from jax.experimental import pallas as pl
from jax.experimental.pallas import tpu as pltpu
from jax.experimental.pallas import tpu_sc as plsc

DIM = 32
BATCH = 16384
L = 16
NC, NS = 2, 16
NW = NC * NS
B2 = 2 * BATCH
BPW = B2 // NW
TPC = 4
CHUNKS = BPW // TPC
SLOTS = 3 * TPC


def _body(tri_hbm, ent_hbm, rel_hbm, out_hbm, tri_v, blk, out_v, sems):
    wid = lax.axis_index("s") * NC + lax.axis_index("c")
    base = wid * BPW
    pltpu.sync_copy(tri_hbm.at[pl.ds(base * 3, BPW * 3)], tri_v)

    iota = lax.iota(jnp.int32, L)

    def chunk_idx(g):
        pos = jnp.minimum(g * SLOTS + iota, jnp.int32(BPW * 3 - 1))
        return plsc.load_gather(tri_v, [pos])

    def fire(g):
        idx = chunk_idx(g)
        p = g & 1
        sem = sems.at[p]
        for k in range(SLOTS):
            src = rel_hbm if k % 3 == 1 else ent_hbm
            start = pl.multiple_of(
                lax.shift_right_logical(idx[k], 7) * 128, 128)
            dst = pl.ds((p * SLOTS + k) * DIM, DIM)
            pltpu.make_async_copy(
                src.at[:, pl.ds(start, 128)], blk.at[dst], sem).start()

    def drain(g):
        sem = sems.at[g & 1]
        for _ in range(SLOTS):
            pltpu.make_async_copy(
                ent_hbm.at[:, pl.ds(0, 128)], blk.at[pl.ds(0, DIM)],
                sem).wait()

    def compute(g, acc):
        idx = chunk_idx(g)
        p = g & 1
        for j in range(TPC):
            s0 = (p * SLOTS + 3 * j) * DIM
            ch = jnp.full((L,), 0, jnp.int32) + (idx[3 * j] & 127)
            cr = jnp.full((L,), 0, jnp.int32) + (idx[3 * j + 1] & 127)
            ct = jnp.full((L,), 0, jnp.int32) + (idx[3 * j + 2] & 127)
            c = jnp.zeros((L,), jnp.float32)
            for half in range(2):
                rows = s0 + half * L + iota
                hv = plsc.load_gather(blk, [rows, ch])
                rv = plsc.load_gather(blk, [rows + DIM, cr])
                tv = plsc.load_gather(blk, [rows + 2 * DIM, ct])
                u = hv + rv - tv
                c = c + u * u
            s = jnp.sum(c)
            acc = jnp.where(iota == ((g * TPC + j) & 15), s, acc)

        @pl.when((g & 3) == 3)
        def _():
            am = jnp.maximum(acc, jnp.float32(1e-30))
            yi = jnp.int32(0x5F3759DF) - lax.shift_right_logical(
                plsc.bitcast(am, jnp.int32), 1)
            y = plsc.bitcast(yi, jnp.float32)
            for _ in range(3):
                y = y * (jnp.float32(1.5) - jnp.float32(0.5) * am * y * y)
            out_v[pl.ds((lax.shift_right_logical(g, 2)) * L, L)] = am * y
        return acc

    fire(0)

    def step(g, acc):
        @pl.when(g + 1 < CHUNKS)
        def _():
            fire(g + 1)
        drain(g)
        return compute(g, acc)
    lax.fori_loop(0, CHUNKS, step, jnp.zeros((L,), jnp.float32))

    pltpu.sync_copy(out_v, out_hbm.at[pl.ds(base, BPW)])


_transe_sc = functools.partial(
    pl.kernel,
    mesh=plsc.VectorSubcoreMesh(core_axis_name="c", subcore_axis_name="s"),
    compiler_params=pltpu.CompilerParams(needs_layout_passes=False),
    out_type=jax.ShapeDtypeStruct((B2,), jnp.float32),
    scratch_types=[
        pltpu.VMEM((BPW * 3,), jnp.int32),
        pltpu.VMEM((2 * SLOTS * DIM, 128), jnp.float32),
        pltpu.VMEM((BPW,), jnp.float32),
        pltpu.SemaphoreType.DMA((2,)),
    ],
)(_body)


def kernel(pos, neg, entity_W, relation_W):
    tri = jnp.concatenate([pos, neg], axis=0).reshape(-1)
    out = _transe_sc(tri, entity_W.T, relation_W.T)
    return out[:BATCH], out[BATCH:]

# --- scband reference (transcript-rebuilt; emitter-appended) ---
"""Pipeline reference for scband-distance-model-25245817766424 (READ-ONLY COPY).

The authoritative reference and input builder live on the scoring server;
editing this copy changes nothing except your own understanding.
"""

import jax, jax.numpy as jnp
import numpy as np

NUM_ENTITIES = 1000000
NUM_RELATIONS = 1000000
DIM = 32
BATCH = 16384


def setup_inputs(seed: int = 0) -> dict:
    key = jax.random.key(seed)
    k1, k2, k3, k4 = jax.random.split(key, 4)
    lim_e = float(np.sqrt(6.0 / (NUM_ENTITIES + DIM)))
    ent = jax.random.uniform(k1, (NUM_ENTITIES, DIM), minval=-lim_e, maxval=lim_e, dtype=jnp.float32)
    ent = ent / jnp.linalg.norm(ent, axis=1, keepdims=True)
    lim_r = float(np.sqrt(6.0 / (NUM_RELATIONS + DIM)))
    rel = jax.random.uniform(k2, (NUM_RELATIONS, DIM), minval=-lim_r, maxval=lim_r, dtype=jnp.float32)
    rel = rel / jnp.linalg.norm(rel, axis=1, keepdims=True)
    pos = jax.random.randint(k3, (BATCH, 3), 0, NUM_ENTITIES, dtype=jnp.int32)
    neg = jax.random.randint(k4, (BATCH, 3), 0, NUM_ENTITIES, dtype=jnp.int32)
    return {"pos": pos, "neg": neg, "entity_W": ent, "relation_W": rel}


def _get_score(head, relation, tail):
    return jnp.linalg.norm(head + relation - tail, ord=2, axis=1)


def reference(pos, neg, entity_W, relation_W):
    pos_entity_head = jnp.take(entity_W, pos[:, 0], axis=0)
    pos_relations = jnp.take(relation_W, pos[:, 1], axis=0)
    pos_entity_tail = jnp.take(entity_W, pos[:, 2], axis=0)
    neg_entity_head = jnp.take(entity_W, neg[:, 0], axis=0)
    neg_relations = jnp.take(relation_W, neg[:, 1], axis=0)
    neg_entity_tail = jnp.take(entity_W, neg[:, 2], axis=0)
    pos_score = _get_score(pos_entity_head, pos_relations, pos_entity_tail)
    neg_score = _get_score(neg_entity_head, neg_relations, neg_entity_tail)
    return (pos_score, neg_score)

if __name__ == "__main__":
    import jax
    _d = setup_inputs()
    print(jax.jit(kernel)(*tuple(_d.values())))

</pallas_src>

<mosaic_0001>
#map = affine_map<(d0, d1) -> (0)>
#map1 = affine_map<(d0, d1) -> (0, 0)>
module attributes {stable_mosaic.version = 14 : i64} {
  func.func @_body(%arg0: i32, %arg1: i32, %arg2: memref<98304xi32, #tpu.memory_space<hbm>>, %arg3: memref<32x1000000xf32, #tpu.memory_space<hbm>>, %arg4: memref<32x1000000xf32, #tpu.memory_space<hbm>>, %arg5: memref<32768xf32, #tpu.memory_space<hbm>>, %arg6: memref<3072xi32, #tpu.memory_space<vmem>>, %arg7: memref<768x128xf32, #tpu.memory_space<vmem>>, %arg8: memref<1024xf32, #tpu.memory_space<vmem>>, %arg9: memref<2x!tpu.dma_semaphore, #tpu.memory_space<semaphore_mem>>) attributes {dimension_semantics = [#tpu.dimension_semantics<core_parallel>, #tpu.dimension_semantics<subcore_parallel>], iteration_bounds = array<i64: 2, 16>, scalar_prefetch = 0 : i64, scratch_operands = 4 : i64, tpu.core_type = #tpu.core_type<sc_vector_subcore>, window_params = [{transform_indices = #map}, {transform_indices = #map1}, {transform_indices = #map1}, {transform_indices = #map}]} {
    %mul3A = arith.constant 2 : i32
    %mul3A_0 = arith.muli %arg1, %mul3A : i32
    %add3A = arith.addi %mul3A_0, %arg0 : i32
    %mul3A_1 = arith.constant 1024 : i32
    %mul3A_2 = arith.muli %add3A, %mul3A_1 : i32
    %mul3A_3 = arith.constant 3 : i32
    %mul3A_4 = arith.muli %mul3A_2, %mul3A_3 : i32
    "tpu.region"() ({
      %run_scoped3A = tpu.sem_alloc : memref<!tpu.dma_semaphore, #tpu.memory_space<semaphore_mem>>
      %dma_start3A_251 = tpu.memref_slice %arg2[%mul3A_4] : memref<98304xi32, #tpu.memory_space<hbm>> -> memref<3072xi32, #tpu.memory_space<hbm>>
      %dma_start3A_252 = tpu.memref_slice %arg2[%mul3A_4] : memref<98304xi32, #tpu.memory_space<hbm>> -> memref<3072xi32, #tpu.memory_space<hbm>>
      tpu.enqueue_dma source(%dma_start3A_252 : memref<3072xi32, #tpu.memory_space<hbm>>) target(%arg6 : memref<3072xi32, #tpu.memory_space<vmem>>) target_semaphore(%run_scoped3A : memref<!tpu.dma_semaphore, #tpu.memory_space<semaphore_mem>>)
      %dma_wait3A = tpu.memref_slice %arg2[%mul3A_4] : memref<98304xi32, #tpu.memory_space<hbm>> -> memref<3072xi32, #tpu.memory_space<hbm>>
      %dma_wait3A_253 = tpu.memref_slice %arg2[%mul3A_4] : memref<98304xi32, #tpu.memory_space<hbm>> -> memref<3072xi32, #tpu.memory_space<hbm>>
      tpu.wait_dma2 semaphore(%run_scoped3A : memref<!tpu.dma_semaphore, #tpu.memory_space<semaphore_mem>>) src(%dma_wait3A_253 : memref<3072xi32, #tpu.memory_space<hbm>>) dst(%arg6 : memref<3072xi32, #tpu.memory_space<vmem>>)
      tpu.yield
    }) : () -> ()
    %iota3A = tpu.iota {dimensions = array<i32: 0>} : vector<16xi32>
    %add3A_5 = arith.constant 0 : i32
    %add3A_6 = vector.broadcast %add3A_5 : i32 to vector<16xi32>
    %add3A_7 = arith.addi %add3A_6, %iota3A : vector<16xi32>
    %min3A = arith.constant 3071 : i32
    %min3A_8 = vector.broadcast %min3A : i32 to vector<16xi32>
    %min3A_9 = arith.minsi %add3A_7, %min3A_8 : vector<16xi32>
    %gather3A = tpu.vector_load_idx %arg6[%min3A_9] : memref<3072xi32, #tpu.memory_space<vmem>>[vector<16xi32>], vector<16xi32>,
    %slice3A = vector.extract_strided_slice %gather3A {offsets = [0], sizes = [1], strides = [1]} : vector<16xi32> to vector<1xi32>
    %squeeze3A = vector.extract %slice3A[0] : i32 from vector<1xi32>
    %shift_right_logical3A = arith.constant 7 : i32
    %shift_right_logical3A_10 = arith.shrui %squeeze3A, %shift_right_logical3A : i32
    %mul3A_11 = arith.constant 128 : i32
    %mul3A_12 = arith.muli %shift_right_logical3A_10, %mul3A_11 : i32
    %multiple_of3A = tpu.assume_multiple %mul3A_12, 128 : i32
    %dma_start3A = arith.constant 0 : i32
    %dma_start3A_13 = arith.constant 0 : i32
    %dma_start3A_14 = arith.constant 0 : i32
    %dma_start3A_15 = tpu.memref_slice %arg7[%dma_start3A_13, %dma_start3A_14] : memref<768x128xf32, #tpu.memory_space<vmem>> -> memref<32x128xf32, #tpu.memory_space<vmem>>
    %dma_start3A_16 = arith.constant 0 : i32
    %dma_start3A_17 = tpu.memref_slice %arg3[%dma_start3A_16, %multiple_of3A] : memref<32x1000000xf32, #tpu.memory_space<hbm>> -> memref<32x128xf32, #tpu.memory_space<hbm>>
    %dma_start3A_18 = tpu.memref_slice %arg9[%dma_start3A] : memref<2x!tpu.dma_semaphore, #tpu.memory_space<semaphore_mem>> -> memref<1x!tpu.dma_semaphore, #tpu.memory_space<semaphore_mem>>
    %dma_start3A_19 = tpu.memref_squeeze %dma_start3A_18 : memref<1x!tpu.dma_semaphore, #tpu.memory_space<semaphore_mem>> -> memref<!tpu.dma_semaphore, #tpu.memory_space<semaphore_mem>>
    %dma_start3A_20 = arith.constant 0 : i32
    %dma_start3A_21 = arith.constant 0 : i32
    %dma_start3A_22 = tpu.memref_slice %arg7[%dma_start3A_20, %dma_start3A_21] : memref<768x128xf32, #tpu.memory_space<vmem>> -> memref<32x128xf32, #tpu.memory_space<vmem>>
    %dma_start3A_23 = arith.constant 0 : i32
    %dma_start3A_24 = tpu.memref_slice %arg3[%dma_start3A_23, %multiple_of3A] : memref<32x1000000xf32, #tpu.memory_space<hbm>> -> memref<32x128xf32, #tpu.memory_space<hbm>>
    tpu.enqueue_dma source(%dma_start3A_24 : memref<32x128xf32, #tpu.memory_space<hbm>>) target(%dma_start3A_22 : memref<32x128xf32, #tpu.memory_space<vmem>>) target_semaphore(%dma_start3A_19 : memref<!tpu.dma_semaphore, #tpu.memory_space<semaphore_mem>>)
    %slice3A_25 = vector.extract_strided_slice %gather3A {offsets = [1], sizes = [1], strides = [1]} : vector<16xi32> to vector<1xi32>
    %squeeze3A_26 = vector.extract %slice3A_25[0] : i32 from vector<1xi32>
    %shift_right_logical3A_27 = arith.constant 7 : i32
    %shift_right_logical3A_28 = arith.shrui %squeeze3A_26, %shift_right_logical3A_27 : i32
    %mul3A_29 = arith.constant 128 : i32
    %mul3A_30 = arith.muli %shift_right_logical3A_28, %mul3A_29 : i32
    %multiple_of3A_31 = tpu.assume_multiple %mul3A_30, 128 : i32
    %dma_start3A_32 = arith.constant 0 : i32
    %dma_start3A_33 = arith.constant 32 : i32
    %dma_start3A_34 = arith.constant 0 : i32
    %dma_start3A_35 = tpu.memref_slice %arg7[%dma_start3A_33, %dma_start3A_34] : memref<768x128xf32, #tpu.memory_space<vmem>> -> memref<32x128xf32, #tpu.memory_space<vmem>>
    %dma_start3A_36 = arith.constant 0 : i32
    %dma_start3A_37 = tpu.memref_slice %arg4[%dma_start3A_36, %multiple_of3A_31] : memref<32x1000000xf32, #tpu.memory_space<hbm>> -> memref<32x128xf32, #tpu.memory_space<hbm>>
    %dma_start3A_38 = tpu.memref_slice %arg9[%dma_start3A_32] : memref<2x!tpu.dma_semaphore, #tpu.memory_space<semaphore_mem>> -> memref<1x!tpu.dma_semaphore, #tpu.memory_space<semaphore_mem>>
    %dma_start3A_39 = tpu.memref_squeeze %dma_start3A_38 : memref<1x!tpu.dma_semaphore, #tpu.memory_space<semaphore_mem>> -> memref<!tpu.dma_semaphore, #tpu.memory_space<semaphore_mem>>
    %dma_start3A_40 = arith.constant 32 : i32
    %dma_start3A_41 = arith.constant 0 : i32
    %dma_start3A_42 = tpu.memref_slice %arg7[%dma_start3A_40, %dma_start3A_41] : memref<768x128xf32, #tpu.memory_space<vmem>> -> memref<32x128xf32, #tpu.memory_space<vmem>>
    %dma_start3A_43 = arith.constant 0 : i32
    %dma_start3A_44 = tpu.memref_slice %arg4[%dma_start3A_43, %multiple_of3A_31] : memref<32x1000000xf32, #tpu.memory_space<hbm>> -> memref<32x128xf32, #tpu.memory_space<hbm>>
    tpu.enqueue_dma source(%dma_start3A_44 : memref<32x128xf32, #tpu.memory_space<hbm>>) target(%dma_start3A_42 : memref<32x128xf32, #tpu.memory_space<vmem>>) target_semaphore(%dma_start3A_39 : memref<!tpu.dma_semaphore, #tpu.memory_space<semaphore_mem>>)
    %slice3A_45 = vector.extract_strided_slice %gather3A {offsets = [2], sizes = [1], strides = [1]} : vector<16xi32> to vector<1xi32>
    %squeeze3A_46 = vector.extract %slice3A_45[0] : i32 from vector<1xi32>
    %shift_right_logical3A_47 = arith.constant 7 : i32
    %shift_right_logical3A_48 = arith.shrui %squeeze3A_46, %shift_right_logical3A_47 : i32
    %mul3A_49 = arith.constant 128 : i32
    %mul3A_50 = arith.muli %shift_right_logical3A_48, %mul3A_49 : i32
    %multiple_of3A_51 = tpu.assume_multiple %mul3A_50, 128 : i32
    %dma_start3A_52 = arith.constant 0 : i32
    %dma_start3A_53 = arith.constant 64 : i32
    %dma_start3A_54 = arith.constant 0 : i32
    %dma_start3A_55 = tpu.memref_slice %arg7[%dma_start3A_53, %dma_start3A_54] : memref<768x128xf32, #tpu.memory_space<vmem>> -> memref<32x128xf32, #tpu.memory_space<vmem>>
    %dma_start3A_56 = arith.constant 0 : i32
    %dma_start3A_57 = tpu.memref_slice %arg3[%dma_start3A_56, %multiple_of3A_51] : memref<32x1000000xf32, #tpu.memory_space<hbm>> -> memref<32x128xf32, #tpu.memory_space<hbm>>
    %dma_start3A_58 = tpu.memref_slice %arg9[%dma_start3A_52] : memref<2x!tpu.dma_semaphore, #tpu.memory_space<semaphore_mem>> -> memref<1x!tpu.dma_semaphore, #tpu.memory_space<semaphore_mem>>
    %dma_start3A_59 = tpu.memref_squeeze %dma_start3A_58 : memref<1x!tpu.dma_semaphore, #tpu.memory_space<semaphore_mem>> -> memref<!tpu.dma_semaphore, #tpu.memory_space<semaphore_mem>>
    %dma_start3A_60 = arith.constant 64 : i32
    %dma_start3A_61 = arith.constant 0 : i32
    %dma_start3A_62 = tpu.memref_slice %arg7[%dma_start3A_60, %dma_start3A_61] : memref<768x128xf32, #tpu.memory_space<vmem>> -> memref<32x128xf32, #tpu.memory_space<vmem>>
    %dma_start3A_63 = arith.constant 0 : i32
    %dma_start3A_64 = tpu.memref_slice %arg3[%dma_start3A_63, %multiple_of3A_51] : memref<32x1000000xf32, #tpu.memory_space<hbm>> -> memref<32x128xf32, #tpu.memory_space<hbm>>
    tpu.enqueue_dma source(%dma_start3A_64 : memref<32x128xf32, #tpu.memory_space<hbm>>) target(%dma_start3A_62 : memref<32x128xf32, #tpu.memory_space<vmem>>) target_semaphore(%dma_start3A_59 : memref<!tpu.dma_semaphore, #tpu.memory_space<semaphore_mem>>)
    %slice3A_65 = vector.extract_strided_slice %gather3A {offsets = [3], sizes = [1], strides = [1]} : vector<16xi32> to vector<1xi32>
    %squeeze3A_66 = vector.extract %slice3A_65[0] : i32 from vector<1xi32>
    %shift_right_logical3A_67 = arith.constant 7 : i32
    %shift_right_logical3A_68 = arith.shrui %squeeze3A_66, %shift_right_logical3A_67 : i32
    %mul3A_69 = arith.constant 128 : i32
    %mul3A_70 = arith.muli %shift_right_logical3A_68, %mul3A_69 : i32
    %multiple_of3A_71 = tpu.assume_multiple %mul3A_70, 128 : i32
    %dma_start3A_72 = arith.constant 0 : i32
    %dma_start3A_73 = arith.constant 96 : i32
    %dma_start3A_74 = arith.constant 0 : i32
    %dma_start3A_75 = tpu.memref_slice %arg7[%dma_start3A_73, %dma_start3A_74] : memref<768x128xf32, #tpu.memory_space<vmem>> -> memref<32x128xf32, #tpu.memory_space<vmem>>
    %dma_start3A_76 = arith.constant 0 : i32
    %dma_start3A_77 = tpu.memref_slice %arg3[%dma_start3A_76, %multiple_of3A_71] : memref<32x1000000xf32, #tpu.memory_space<hbm>> -> memref<32x128xf32, #tpu.memory_space<hbm>>
    %dma_start3A_78 = tpu.memref_slice %arg9[%dma_start3A_72] : memref<2x!tpu.dma_semaphore, #tpu.memory_space<semaphore_mem>> -> memref<1x!tpu.dma_semaphore, #tpu.memory_space<semaphore_mem>>
    %dma_start3A_79 = tpu.memref_squeeze %dma_start3A_78 : memref<1x!tpu.dma_semaphore, #tpu.memory_space<semaphore_mem>> -> memref<!tpu.dma_semaphore, #tpu.memory_space<semaphore_mem>>
    %dma_start3A_80 = arith.constant 96 : i32
    %dma_start3A_81 = arith.constant 0 : i32
    %dma_start3A_82 = tpu.memref_slice %arg7[%dma_start3A_80, %dma_start3A_81] : memref<768x128xf32, #tpu.memory_space<vmem>> -> memref<32x128xf32, #tpu.memory_space<vmem>>
    %dma_start3A_83 = arith.constant 0 : i32
    %dma_start3A_84 = tpu.memref_slice %arg3[%dma_start3A_83, %multiple_of3A_71] : memref<32x1000000xf32, #tpu.memory_space<hbm>> -> memref<32x128xf32, #tpu.memory_space<hbm>>
    tpu.enqueue_dma source(%dma_start3A_84 : memref<32x128xf32, #tpu.memory_space<hbm>>) target(%dma_start3A_82 : memref<32x128xf32, #tpu.memory_space<vmem>>) target_semaphore(%dma_start3A_79 : memref<!tpu.dma_semaphore, #tpu.memory_space<semaphore_mem>>)
    %slice3A_85 = vector.extract_strided_slice %gather3A {offsets = [4], sizes = [1], strides = [1]} : vector<16xi32> to vector<1xi32>
    %squeeze3A_86 = vector.extract %slice3A_85[0] : i32 from vector<1xi32>
    %shift_right_logical3A_87 = arith.constant 7 : i32
    %shift_right_logical3A_88 = arith.shrui %squeeze3A_86, %shift_right_logical3A_87 : i32
    %mul3A_89 = arith.constant 128 : i32
    %mul3A_90 = arith.muli %shift_right_logical3A_88, %mul3A_89 : i32
    %multiple_of3A_91 = tpu.assume_multiple %mul3A_90, 128 : i32
    %dma_start3A_92 = arith.constant 0 : i32
    %dma_start3A_93 = arith.constant 128 : i32
    %dma_start3A_94 = arith.constant 0 : i32
    %dma_start3A_95 = tpu.memref_slice %arg7[%dma_start3A_93, %dma_start3A_94] : memref<768x128xf32, #tpu.memory_space<vmem>> -> memref<32x128xf32, #tpu.memory_space<vmem>>
    %dma_start3A_96 = arith.constant 0 : i32
    %dma_start3A_97 = tpu.memref_slice %arg4[%dma_start3A_96, %multiple_of3A_91] : memref<32x1000000xf32, #tpu.memory_space<hbm>> -> memref<32x128xf32, #tpu.memory_space<hbm>>
    %dma_start3A_98 = tpu.memref_slice %arg9[%dma_start3A_92] : memref<2x!tpu.dma_semaphore, #tpu.memory_space<semaphore_mem>> -> memref<1x!tpu.dma_semaphore, #tpu.memory_space<semaphore_mem>>
    %dma_start3A_99 = tpu.memref_squeeze %dma_start3A_98 : memref<1x!tpu.dma_semaphore, #tpu.memory_space<semaphore_mem>> -> memref<!tpu.dma_semaphore, #tpu.memory_space<semaphore_mem>>
    %dma_start3A_100 = arith.constant 128 : i32
    %dma_start3A_101 = arith.constant 0 : i32
    %dma_start3A_102 = tpu.memref_slice %arg7[%dma_start3A_100, %dma_start3A_101] : memref<768x128xf32, #tpu.memory_space<vmem>> -> memref<32x128xf32, #tpu.memory_space<vmem>>
    %dma_start3A_103 = arith.constant 0 : i32
    %dma_start3A_104 = tpu.memref_slice %arg4[%dma_start3A_103, %multiple_of3A_91] : memref<32x1000000xf32, #tpu.memory_space<hbm>> -> memref<32x128xf32, #tpu.memory_space<hbm>>
    tpu.enqueue_dma source(%dma_start3A_104 : memref<32x128xf32, #tpu.memory_space<hbm>>) target(%dma_start3A_102 : memref<32x128xf32, #tpu.memory_space<vmem>>) target_semaphore(%dma_start3A_99 : memref<!tpu.dma_semaphore, #tpu.memory_space<semaphore_mem>>)
    %slice3A_105 = vector.extract_strided_slice %gather3A {offsets = [5], sizes = [1], strides = [1]} : vector<16xi32> to vector<1xi32>
    %squeeze3A_106 = vector.extract %slice3A_105[0] : i32 from vector<1xi32>
    %shift_right_logical3A_107 = arith.constant 7 : i32
    %shift_right_logical3A_108 = arith.shrui %squeeze3A_106, %shift_right_logical3A_107 : i32
    %mul3A_109 = arith.constant 128 : i32
    %mul3A_110 = arith.muli %shift_right_logical3A_108, %mul3A_109 : i32
    %multiple_of3A_111 = tpu.assume_multiple %mul3A_110, 128 : i32
    %dma_start3A_112 = arith.constant 0 : i32
    %dma_start3A_113 = arith.constant 160 : i32
    %dma_start3A_114 = arith.constant 0 : i32
    %dma_start3A_115 = tpu.memref_slice %arg7[%dma_start3A_113, %dma_start3A_114] : memref<768x128xf32, #tpu.memory_space<vmem>> -> memref<32x128xf32, #tpu.memory_space<vmem>>
    %dma_start3A_116 = arith.constant 0 : i32
    %dma_start3A_117 = tpu.memref_slice %arg3[%dma_start3A_116, %multiple_of3A_111] : memref<32x1000000xf32, #tpu.memory_space<hbm>> -> memref<32x128xf32, #tpu.memory_space<hbm>>
    %dma_start3A_118 = tpu.memref_slice %arg9[%dma_start3A_112] : memref<2x!tpu.dma_semaphore, #tpu.memory_space<semaphore_mem>> -> memref<1x!tpu.dma_semaphore, #tpu.memory_space<semaphore_mem>>
    %dma_start3A_119 = tpu.memref_squeeze %dma_start3A_118 : memref<1x!tpu.dma_semaphore, #tpu.memory_space<semaphore_mem>> -> memref<!tpu.dma_semaphore, #tpu.memory_space<semaphore_mem>>
    %dma_start3A_120 = arith.constant 160 : i32
    %dma_start3A_121 = arith.constant 0 : i32
    %dma_start3A_122 = tpu.memref_slice %arg7[%dma_start3A_120, %dma_start3A_121] : memref<768x128xf32, #tpu.memory_space<vmem>> -> memref<32x128xf32, #tpu.memory_space<vmem>>
    %dma_start3A_123 = arith.constant 0 : i32
    %dma_start3A_124 = tpu.memref_slice %arg3[%dma_start3A_123, %multiple_of3A_111] : memref<32x1000000xf32, #tpu.memory_space<hbm>> -> memref<32x128xf32, #tpu.memory_space<hbm>>
    tpu.enqueue_dma source(%dma_start3A_124 : memref<32x128xf32, #tpu.memory_space<hbm>>) target(%dma_start3A_122 : memref<32x128xf32, #tpu.memory_space<vmem>>) target_semaphore(%dma_start3A_119 : memref<!tpu.dma_semaphore, #tpu.memory_space<semaphore_mem>>)
    %slice3A_125 = vector.extract_strided_slice %gather3A {offsets = [6], sizes = [1], strides = [1]} : vector<16xi32> to vector<1xi32>
    %squeeze3A_126 = vector.extract %slice3A_125[0] : i32 from vector<1xi32>
    %shift_right_logical3A_127 = arith.constant 7 : i32
    %shift_right_logical3A_128 = arith.shrui %squeeze3A_126, %shift_right_logical3A_127 : i32
    %mul3A_129 = arith.constant 128 : i32
    %mul3A_130 = arith.muli %shift_right_logical3A_128, %mul3A_129 : i32
    %multiple_of3A_131 = tpu.assume_multiple %mul3A_130, 128 : i32
    %dma_start3A_132 = arith.constant 0 : i32
    %dma_start3A_133 = arith.constant 192 : i32
    %dma_start3A_134 = arith.constant 0 : i32
    %dma_start3A_135 = tpu.memref_slice %arg7[%dma_start3A_133, %dma_start3A_134] : memref<768x128xf32, #tpu.memory_space<vmem>> -> memref<32x128xf32, #tpu.memory_space<vmem>>
    %dma_start3A_136 = arith.constant 0 : i32
    %dma_start3A_137 = tpu.memref_slice %arg3[%dma_start3A_136, %multiple_of3A_131] : memref<32x1000000xf32, #tpu.memory_space<hbm>> -> memref<32x128xf32, #tpu.memory_space<hbm>>
    %dma_start3A_138 = tpu.memref_slice %arg9[%dma_start3A_132] : memref<2x!tpu.dma_semaphore, #tpu.memory_space<semaphore_mem>> -> memref<1x!tpu.dma_semaphore, #tpu.memory_space<semaphore_mem>>
    %dma_start3A_139 = tpu.memref_squeeze %dma_start3A_138 : memref<1x!tpu.dma_semaphore, #tpu.memory_space<semaphore_mem>> -> memref<!tpu.dma_semaphore, #tpu.memory_space<semaphore_mem>>
    %dma_start3A_140 = arith.constant 192 : i32
    %dma_start3A_141 = arith.constant 0 : i32
    %dma_start3A_142 = tpu.memref_slice %arg7[%dma_start3A_140, %dma_start3A_141] : memref<768x128xf32, #tpu.memory_space<vmem>> -> memref<32x128xf32, #tpu.memory_space<vmem>>
    %dma_start3A_143 = arith.constant 0 : i32
    %dma_start3A_144 = tpu.memref_slice %arg3[%dma_start3A_143, %multiple_of3A_131] : memref<32x1000000xf32, #tpu.memory_space<hbm>> -> memref<32x128xf32, #tpu.memory_space<hbm>>
    tpu.enqueue_dma source(%dma_start3A_144 : memref<32x128xf32, #tpu.memory_space<hbm>>) target(%dma_start3A_142 : memref<32x128xf32, #tpu.memory_space<vmem>>) target_semaphore(%dma_start3A_139 : memref<!tpu.dma_semaphore, #tpu.memory_space<semaphore_mem>>)
    %slice3A_145 = vector.extract_strided_slice %gather3A {offsets = [7], sizes = [1], strides = [1]} : vector<16xi32> to vector<1xi32>
    %squeeze3A_146 = vector.extract %slice3A_145[0] : i32 from vector<1xi32>
    %shift_right_logical3A_147 = arith.constant 7 : i32
    %shift_right_logical3A_148 = arith.shrui %squeeze3A_146, %shift_right_logical3A_147 : i32
    %mul3A_149 = arith.constant 128 : i32
    %mul3A_150 = arith.muli %shift_right_logical3A_148, %mul3A_149 : i32
    %multiple_of3A_151 = tpu.assume_multiple %mul3A_150, 128 : i32
    %dma_start3A_152 = arith.constant 0 : i32
    %dma_start3A_153 = arith.constant 224 : i32
    %dma_start3A_154 = arith.constant 0 : i32
    %dma_start3A_155 = tpu.memref_slice %arg7[%dma_start3A_153, %dma_start3A_154] : memref<768x128xf32, #tpu.memory_space<vmem>> -> memref<32x128xf32, #tpu.memory_space<vmem>>
    %dma_start3A_156 = arith.constant 0 : i32
    %dma_start3A_157 = tpu.memref_slice %arg4[%dma_start3A_156, %multiple_of3A_151] : memref<32x1000000xf32, #tpu.memory_space<hbm>> -> memref<32x128xf32, #tpu.memory_space<hbm>>
    %dma_start3A_158 = tpu.memref_slice %arg9[%dma_start3A_152] : memref<2x!tpu.dma_semaphore, #tpu.memory_space<semaphore_mem>> -> memref<1x!tpu.dma_semaphore, #tpu.memory_space<semaphore_mem>>
    %dma_start3A_159 = tpu.memref_squeeze %dma_start3A_158 : memref<1x!tpu.dma_semaphore, #tpu.memory_space<semaphore_mem>> -> memref<!tpu.dma_semaphore, #tpu.memory_space<semaphore_mem>>
    %dma_start3A_160 = arith.constant 224 : i32
    %dma_start3A_161 = arith.constant 0 : i32
    %dma_start3A_162 = tpu.memref_slice %arg7[%dma_start3A_160, %dma_start3A_161] : memref<768x128xf32, #tpu.memory_space<vmem>> -> memref<32x128xf32, #tpu.memory_space<vmem>>
    %dma_start3A_163 = arith.constant 0 : i32
    %dma_start3A_164 = tpu.memref_slice %arg4[%dma_start3A_163, %multiple_of3A_151] : memref<32x1000000xf32, #tpu.memory_space<hbm>> -> memref<32x128xf32, #tpu.memory_space<hbm>>
    tpu.enqueue_dma source(%dma_start3A_164 : memref<32x128xf32, #tpu.memory_space<hbm>>) target(%dma_start3A_162 : memref<32x128xf32, #tpu.memory_space<vmem>>) target_semaphore(%dma_start3A_159 : memref<!tpu.dma_semaphore, #tpu.memory_space<semaphore_mem>>)
    %slice3A_165 = vector.extract_strided_slice %gather3A {offsets = [8], sizes = [1], strides = [1]} : vector<16xi32> to vector<1xi32>
    %squeeze3A_166 = vector.extract %slice3A_165[0] : i32 from vector<1xi32>
    %shift_right_logical3A_167 = arith.constant 7 : i32
    %shift_right_logical3A_168 = arith.shrui %squeeze3A_166, %shift_right_logical3A_167 : i32
    %mul3A_169 = arith.constant 128 : i32
    %mul3A_170 = arith.muli %shift_right_logical3A_168, %mul3A_169 : i32
    %multiple_of3A_171 = tpu.assume_multiple %mul3A_170, 128 : i32
    %dma_start3A_172 = arith.constant 0 : i32
    %dma_start3A_173 = arith.constant 256 : i32
    %dma_start3A_174 = arith.constant 0 : i32
    %dma_start3A_175 = tpu.memref_slice %arg7[%dma_start3A_173, %dma_start3A_174] : memref<768x128xf32, #tpu.memory_space<vmem>> -> memref<32x128xf32, #tpu.memory_space<vmem>>
    %dma_start3A_176 = arith.constant 0 : i32
    %dma_start3A_177 = tpu.memref_slice %arg3[%dma_start3A_176, %multiple_of3A_171] : memref<32x1000000xf32, #tpu.memory_space<hbm>> -> memref<32x128xf32, #tpu.memory_space<hbm>>
    %dma_start3A_178 = tpu.memref_slice %arg9[%dma_start3A_172] : memref<2x!tpu.dma_semaphore, #tpu.memory_space<semaphore_mem>> -> memref<1x!tpu.dma_semaphore, #tpu.memory_space<semaphore_mem>>
    %dma_start3A_179 = tpu.memref_squeeze %dma_start3A_178 : memref<1x!tpu.dma_semaphore, #tpu.memory_space<semaphore_mem>> -> memref<!tpu.dma_semaphore, #tpu.memory_space<semaphore_mem>>
    %dma_start3A_180 = arith.constant 256 : i32
    %dma_start3A_181 = arith.constant 0 : i32
    %dma_start3A_182 = tpu.memref_slice %arg7[%dma_start3A_180, %dma_start3A_181] : memref<768x128xf32, #tpu.memory_space<vmem>> -> memref<32x128xf32, #tpu.memory_space<vmem>>
    %dma_start3A_183 = arith.constant 0 : i32
    %dma_start3A_184 = tpu.memref_slice %arg3[%dma_start3A_183, %multiple_of3A_171] : memref<32x1000000xf32, #tpu.memory_space<hbm>> -> memref<32x128xf32, #tpu.memory_space<hbm>>
    tpu.enqueue_dma source(%dma_start3A_184 : memref<32x128xf32, #tpu.memory_space<hbm>>) target(%dma_start3A_182 : memref<32x128xf32, #tpu.memory_space<vmem>>) target_semaphore(%dma_start3A_179 : memref<!tpu.dma_semaphore, #tpu.memory_space<semaphore_mem>>)
    %slice3A_185 = vector.extract_strided_slice %gather3A {offsets = [9], sizes = [1], strides = [1]} : vector<16xi32> to vector<1xi32>
    %squeeze3A_186 = vector.extract %slice3A_185[0] : i32 from vector<1xi32>
    %shift_right_logical3A_187 = arith.constant 7 : i32
    %shift_right_logical3A_188 = arith.shrui %squeeze3A_186, %shift_right_logical3A_187 : i32
    %mul3A_189 = arith.constant 128 : i32
    %mul3A_190 = arith.muli %shift_right_logical3A_188, %mul3A_189 : i32
    %multiple_of3A_191 = tpu.assume_multiple %mul3A_190, 128 : i32
    %dma_start3A_192 = arith.constant 0 : i32
    %dma_start3A_193 = arith.constant 288 : i32
    %dma_start3A_194 = arith.constant 0 : i32
    %dma_start3A_195 = tpu.memref_slice %arg7[%dma_start3A_193, %dma_start3A_194] : memref<768x128xf32, #tpu.memory_space<vmem>> -> memref<32x128xf32, #tpu.memory_space<vmem>>
    %dma_start3A_196 = arith.constant 0 : i32
    %dma_start3A_197 = tpu.memref_slice %arg3[%dma_start3A_196, %multiple_of3A_191] : memref<32x1000000xf32, #tpu.memory_space<hbm>> -> memref<32x128xf32, #tpu.memory_space<hbm>>
    %dma_start3A_198 = tpu.memref_slice %arg9[%dma_start3A_192] : memref<2x!tpu.dma_semaphore, #tpu.memory_space<semaphore_mem>> -> memref<1x!tpu.dma_semaphore, #tpu.memory_space<semaphore_mem>>
    %dma_start3A_199 = tpu.memref_squeeze %dma_start3A_198 : memref<1x!tpu.dma_semaphore, #tpu.memory_space<semaphore_mem>> -> memref<!tpu.dma_semaphore, #tpu.memory_space<semaphore_mem>>
    %dma_start3A_200 = arith.constant 288 : i32
    %dma_start3A_201 = arith.constant 0 : i32
    %dma_start3A_202 = tpu.memref_slice %arg7[%dma_start3A_200, %dma_start3A_201] : memref<768x128xf32, #tpu.memory_space<vmem>> -> memref<32x128xf32, #tpu.memory_space<vmem>>
    %dma_start3A_203 = arith.constant 0 : i32
    %dma_start3A_204 = tpu.memref_slice %arg3[%dma_start3A_203, %multiple_of3A_191] : memref<32x1000000xf32, #tpu.memory_space<hbm>> -> memref<32x128xf32, #tpu.memory_space<hbm>>
    tpu.enqueue_dma source(%dma_start3A_204 : memref<32x128xf32, #tpu.memory_space<hbm>>) target(%dma_start3A_202 : memref<32x128xf32, #tpu.memory_space<vmem>>) target_semaphore(%dma_start3A_199 : memref<!tpu.dma_semaphore, #tpu.memory_space<semaphore_mem>>)
    %slice3A_205 = vector.extract_strided_slice %gather3A {offsets = [10], sizes = [1], strides = [1]} : vector<16xi32> to vector<1xi32>
    %squeeze3A_206 = vector.extract %slice3A_205[0] : i32 from vector<1xi32>
    %shift_right_logical3A_207 = arith.constant 7 : i32
    %shift_right_logical3A_208 = arith.shrui %squeeze3A_206, %shift_right_logical3A_207 : i32
    %mul3A_209 = arith.constant 128 : i32
    %mul3A_210 = arith.muli %shift_right_logical3A_208, %mul3A_209 : i32
    %multiple_of3A_211 = tpu.assume_multiple %mul3A_210, 128 : i32
    %dma_start3A_212 = arith.constant 0 : i32
    %dma_start3A_213 = arith.constant 320 : i32
    %dma_start3A_214 = arith.constant 0 : i32
    %dma_start3A_215 = tpu.memref_slice %arg7[%dma_start3A_213, %dma_start3A_214] : memref<768x128xf32, #tpu.memory_space<vmem>> -> memref<32x128xf32, #tpu.memory_space<vmem>>
    %dma_start3A_216 = arith.constant 0 : i32
    %dma_start3A_217 = tpu.memref_slice %arg4[%dma_start3A_216, %multiple_of3A_211] : memref<32x1000000xf32, #tpu.memory_space<hbm>> -> memref<32x128xf32, #tpu.memory_space<hbm>>
    %dma_start3A_218 = tpu.memref_slice %arg9[%dma_start3A_212] : memref<2x!tpu.dma_semaphore, #tpu.memory_space<semaphore_mem>> -> memref<1x!tpu.dma_semaphore, #tpu.memory_space<semaphore_mem>>
    %dma_start3A_219 = tpu.memref_squeeze %dma_start3A_218 : memref<1x!tpu.dma_semaphore, #tpu.memory_space<semaphore_mem>> -> memref<!tpu.dma_semaphore, #tpu.memory_space<semaphore_mem>>
    %dma_start3A_220 = arith.constant 320 : i32
    %dma_start3A_221 = arith.constant 0 : i32
    %dma_start3A_222 = tpu.memref_slice %arg7[%dma_start3A_220, %dma_start3A_221] : memref<768x128xf32, #tpu.memory_space<vmem>> -> memref<32x128xf32, #tpu.memory_space<vmem>>
    %dma_start3A_223 = arith.constant 0 : i32
    %dma_start3A_224 = tpu.memref_slice %arg4[%dma_start3A_223, %multiple_of3A_211] : memref<32x1000000xf32, #tpu.memory_space<hbm>> -> memref<32x128xf32, #tpu.memory_space<hbm>>
    tpu.enqueue_dma source(%dma_start3A_224 : memref<32x128xf32, #tpu.memory_space<hbm>>) target(%dma_start3A_222 : memref<32x128xf32, #tpu.memory_space<vmem>>) target_semaphore(%dma_start3A_219 : memref<!tpu.dma_semaphore, #tpu.memory_space<semaphore_mem>>)
    %slice3A_225 = vector.extract_strided_slice %gather3A {offsets = [11], sizes = [1], strides = [1]} : vector<16xi32> to vector<1xi32>
    %squeeze3A_226 = vector.extract %slice3A_225[0] : i32 from vector<1xi32>
    %shift_right_logical3A_227 = arith.constant 7 : i32
    %shift_right_logical3A_228 = arith.shrui %squeeze3A_226, %shift_right_logical3A_227 : i32
    %mul3A_229 = arith.constant 128 : i32
    %mul3A_230 = arith.muli %shift_right_logical3A_228, %mul3A_229 : i32
    %multiple_of3A_231 = tpu.assume_multiple %mul3A_230, 128 : i32
    %dma_start3A_232 = arith.constant 0 : i32
    %dma_start3A_233 = arith.constant 352 : i32
    %dma_start3A_234 = arith.constant 0 : i32
    %dma_start3A_235 = tpu.memref_slice %arg7[%dma_start3A_233, %dma_start3A_234] : memref<768x128xf32, #tpu.memory_space<vmem>> -> memref<32x128xf32, #tpu.memory_space<vmem>>
    %dma_start3A_236 = arith.constant 0 : i32
    %dma_start3A_237 = tpu.memref_slice %arg3[%dma_start3A_236, %multiple_of3A_231] : memref<32x1000000xf32, #tpu.memory_space<hbm>> -> memref<32x128xf32, #tpu.memory_space<hbm>>
    %dma_start3A_238 = tpu.memref_slice %arg9[%dma_start3A_232] : memref<2x!tpu.dma_semaphore, #tpu.memory_space<semaphore_mem>> -> memref<1x!tpu.dma_semaphore, #tpu.memory_space<semaphore_mem>>
    %dma_start3A_239 = tpu.memref_squeeze %dma_start3A_238 : memref<1x!tpu.dma_semaphore, #tpu.memory_space<semaphore_mem>> -> memref<!tpu.dma_semaphore, #tpu.memory_space<semaphore_mem>>
    %dma_start3A_240 = arith.constant 352 : i32
    %dma_start3A_241 = arith.constant 0 : i32
    %dma_start3A_242 = tpu.memref_slice %arg7[%dma_start3A_240, %dma_start3A_241] : memref<768x128xf32, #tpu.memory_space<vmem>> -> memref<32x128xf32, #tpu.memory_space<vmem>>
    %dma_start3A_243 = arith.constant 0 : i32
    %dma_start3A_244 = tpu.memref_slice %arg3[%dma_start3A_243, %multiple_of3A_231] : memref<32x1000000xf32, #tpu.memory_space<hbm>> -> memref<32x128xf32, #tpu.memory_space<hbm>>
    tpu.enqueue_dma source(%dma_start3A_244 : memref<32x128xf32, #tpu.memory_space<hbm>>) target(%dma_start3A_242 : memref<32x128xf32, #tpu.memory_space<vmem>>) target_semaphore(%dma_start3A_239 : memref<!tpu.dma_semaphore, #tpu.memory_space<semaphore_mem>>)
    %broadcast_in_dim3A = arith.constant 0.000000e+00 : f32
    %broadcast_in_dim3A_245 = vector.broadcast %broadcast_in_dim3A : f32 to vector<16xf32>
    %scan3A = arith.constant 0 : i32
    %scan3A_246 = arith.constant 256 : i32
    %scan3A_247 = arith.addi %scan3A, %scan3A_246 : i32
    %scan3A_248 = arith.constant 1 : i32
    %scan3A_249 = scf.for %scan3A_251 = %scan3A to %scan3A_247 step %scan3A_248 iter_args(%scan3A_252 = %broadcast_in_dim3A_245) -> (vector<16xf32>)  : i32 {
      %add3A_253 = arith.constant 1 : i32
      %add3A_254 = arith.addi %scan3A_251, %add3A_253 : i32
      %lt3A = arith.constant 256 : i32
      %lt3A_255 = arith.cmpi slt, %add3A_254, %lt3A : i32
      %convert_element_type3A = arith.extui %lt3A_255 : i1 to i32
      %cond3A = arith.constant 0 : i32
      %cond3A_256 = arith.cmpi ne, %convert_element_type3A, %cond3A : i32
      scf.if %cond3A_256 {
        %add3A_758 = arith.constant 1 : i32
        %add3A_759 = arith.addi %scan3A_251, %add3A_758 : i32
        %mul3A_760 = arith.constant 12 : i32
        %mul3A_761 = arith.muli %add3A_759, %mul3A_760 : i32
        %add3A_762 = vector.broadcast %mul3A_761 : i32 to vector<16xi32>
        %add3A_763 = arith.addi %add3A_762, %iota3A : vector<16xi32>
        %min3A_764 = arith.constant 3071 : i32
        %min3A_765 = vector.broadcast %min3A_764 : i32 to vector<16xi32>
        %min3A_766 = arith.minsi %add3A_763, %min3A_765 : vector<16xi32>
        %gather3A_767 = tpu.vector_load_idx %arg6[%min3A_766] : memref<3072xi32, #tpu.memory_space<vmem>>[vector<16xi32>], vector<16xi32>,
        %and3A_768 = arith.constant 1 : i32
        %and3A_769 = arith.andi %add3A_759, %and3A_768 : i32
        %slice3A_770 = vector.extract_strided_slice %gather3A_767 {offsets = [0], sizes = [1], strides = [1]} : vector<16xi32> to vector<1xi32>
        %squeeze3A_771 = vector.extract %slice3A_770[0] : i32 from vector<1xi32>
        %shift_right_logical3A_772 = arith.constant 7 : i32
        %shift_right_logical3A_773 = arith.shrui %squeeze3A_771, %shift_right_logical3A_772 : i32
        %mul3A_774 = arith.constant 128 : i32
        %mul3A_775 = arith.muli %shift_right_logical3A_773, %mul3A_774 : i32
        %multiple_of3A_776 = tpu.assume_multiple %mul3A_775, 128 : i32
        %mul3A_777 = arith.constant 12 : i32
        %mul3A_778 = arith.muli %and3A_769, %mul3A_777 : i32
        %add3A_779 = arith.constant 0 : i32
        %add3A_780 = arith.addi %mul3A_778, %add3A_779 : i32
        %mul3A_781 = arith.constant 32 : i32
        %mul3A_782 = arith.muli %add3A_780, %mul3A_781 : i32
        %dma_start3A_783 = arith.constant 0 : i32
        %dma_start3A_784 = tpu.memref_slice %arg7[%mul3A_782, %dma_start3A_783] : memref<768x128xf32, #tpu.memory_space<vmem>> -> memref<32x128xf32, #tpu.memory_space<vmem>>
        %dma_start3A_785 = arith.constant 0 : i32
        %dma_start3A_786 = tpu.memref_slice %arg3[%dma_start3A_785, %multiple_of3A_776] : memref<32x1000000xf32, #tpu.memory_space<hbm>> -> memref<32x128xf32, #tpu.memory_space<hbm>>
        %dma_start3A_787 = tpu.memref_slice %arg9[%and3A_769] : memref<2x!tpu.dma_semaphore, #tpu.memory_space<semaphore_mem>> -> memref<1x!tpu.dma_semaphore, #tpu.memory_space<semaphore_mem>>
        %dma_start3A_788 = tpu.memref_squeeze %dma_start3A_787 : memref<1x!tpu.dma_semaphore, #tpu.memory_space<semaphore_mem>> -> memref<!tpu.dma_semaphore, #tpu.memory_space<semaphore_mem>>
        %dma_start3A_789 = arith.constant 0 : i32
        %dma_start3A_790 = tpu.memref_slice %arg7[%mul3A_782, %dma_start3A_789] : memref<768x128xf32, #tpu.memory_space<vmem>> -> memref<32x128xf32, #tpu.memory_space<vmem>>
        %dma_start3A_791 = arith.constant 0 : i32
        %dma_start3A_792 = tpu.memref_slice %arg3[%dma_start3A_791, %multiple_of3A_776] : memref<32x1000000xf32, #tpu.memory_space<hbm>> -> memref<32x128xf32, #tpu.memory_space<hbm>>
        tpu.enqueue_dma source(%dma_start3A_792 : memref<32x128xf32, #tpu.memory_space<hbm>>) target(%dma_start3A_790 : memref<32x128xf32, #tpu.memory_space<vmem>>) target_semaphore(%dma_start3A_788 : memref<!tpu.dma_semaphore, #tpu.memory_space<semaphore_mem>>)
        %slice3A_793 = vector.extract_strided_slice %gather3A_767 {offsets = [1], sizes = [1], strides = [1]} : vector<16xi32> to vector<1xi32>
        %squeeze3A_794 = vector.extract %slice3A_793[0] : i32 from vector<1xi32>
        %shift_right_logical3A_795 = arith.constant 7 : i32
        %shift_right_logical3A_796 = arith.shrui %squeeze3A_794, %shift_right_logical3A_795 : i32
        %mul3A_797 = arith.constant 128 : i32
        %mul3A_798 = arith.muli %shift_right_logical3A_796, %mul3A_797 : i32
        %multiple_of3A_799 = tpu.assume_multiple %mul3A_798, 128 : i32
        %mul3A_800 = arith.constant 12 : i32
        %mul3A_801 = arith.muli %and3A_769, %mul3A_800 : i32
        %add3A_802 = arith.constant 1 : i32
        %add3A_803 = arith.addi %mul3A_801, %add3A_802 : i32
        %mul3A_804 = arith.constant 32 : i32
        %mul3A_805 = arith.muli %add3A_803, %mul3A_804 : i32
        %dma_start3A_806 = arith.constant 0 : i32
        %dma_start3A_807 = tpu.memref_slice %arg7[%mul3A_805, %dma_start3A_806] : memref<768x128xf32, #tpu.memory_space<vmem>> -> memref<32x128xf32, #tpu.memory_space<vmem>>
        %dma_start3A_808 = arith.constant 0 : i32
        %dma_start3A_809 = tpu.memref_slice %arg4[%dma_start3A_808, %multiple_of3A_799] : memref<32x1000000xf32, #tpu.memory_space<hbm>> -> memref<32x128xf32, #tpu.memory_space<hbm>>
        %dma_start3A_810 = tpu.memref_slice %arg9[%and3A_769] : memref<2x!tpu.dma_semaphore, #tpu.memory_space<semaphore_mem>> -> memref<1x!tpu.dma_semaphore, #tpu.memory_space<semaphore_mem>>
        %dma_start3A_811 = tpu.memref_squeeze %dma_start3A_810 : memref<1x!tpu.dma_semaphore, #tpu.memory_space<semaphore_mem>> -> memref<!tpu.dma_semaphore, #tpu.memory_space<semaphore_mem>>
        %dma_start3A_812 = arith.constant 0 : i32
        %dma_start3A_813 = tpu.memref_slice %arg7[%mul3A_805, %dma_start3A_812] : memref<768x128xf32, #tpu.memory_space<vmem>> -> memref<32x128xf32, #tpu.memory_space<vmem>>
        %dma_start3A_814 = arith.constant 0 : i32
        %dma_start3A_815 = tpu.memref_slice %arg4[%dma_start3A_814, %multiple_of3A_799] : memref<32x1000000xf32, #tpu.memory_space<hbm>> -> memref<32x128xf32, #tpu.memory_space<hbm>>
        tpu.enqueue_dma source(%dma_start3A_815 : memref<32x128xf32, #tpu.memory_space<hbm>>) target(%dma_start3A_813 : memref<32x128xf32, #tpu.memory_space<vmem>>) target_semaphore(%dma_start3A_811 : memref<!tpu.dma_semaphore, #tpu.memory_space<semaphore_mem>>)
        %slice3A_816 = vector.extract_strided_slice %gather3A_767 {offsets = [2], sizes = [1], strides = [1]} : vector<16xi32> to vector<1xi32>
        %squeeze3A_817 = vector.extract %slice3A_816[0] : i32 from vector<1xi32>
        %shift_right_logical3A_818 = arith.constant 7 : i32
        %shift_right_logical3A_819 = arith.shrui %squeeze3A_817, %shift_right_logical3A_818 : i32
        %mul3A_820 = arith.constant 128 : i32
        %mul3A_821 = arith.muli %shift_right_logical3A_819, %mul3A_820 : i32
        %multiple_of3A_822 = tpu.assume_multiple %mul3A_821, 128 : i32
        %mul3A_823 = arith.constant 12 : i32
        %mul3A_824 = arith.muli %and3A_769, %mul3A_823 : i32
        %add3A_825 = arith.constant 2 : i32
        %add3A_826 = arith.addi %mul3A_824, %add3A_825 : i32
        %mul3A_827 = arith.constant 32 : i32
        %mul3A_828 = arith.muli %add3A_826, %mul3A_827 : i32
        %dma_start3A_829 = arith.constant 0 : i32
        %dma_start3A_830 = tpu.memref_slice %arg7[%mul3A_828, %dma_start3A_829] : memref<768x128xf32, #tpu.memory_space<vmem>> -> memref<32x128xf32, #tpu.memory_space<vmem>>
        %dma_start3A_831 = arith.constant 0 : i32
        %dma_start3A_832 = tpu.memref_slice %arg3[%dma_start3A_831, %multiple_of3A_822] : memref<32x1000000xf32, #tpu.memory_space<hbm>> -> memref<32x128xf32, #tpu.memory_space<hbm>>
        %dma_start3A_833 = tpu.memref_slice %arg9[%and3A_769] : memref<2x!tpu.dma_semaphore, #tpu.memory_space<semaphore_mem>> -> memref<1x!tpu.dma_semaphore, #tpu.memory_space<semaphore_mem>>
        %dma_start3A_834 = tpu.memref_squeeze %dma_start3A_833 : memref<1x!tpu.dma_semaphore, #tpu.memory_space<semaphore_mem>> -> memref<!tpu.dma_semaphore, #tpu.memory_space<semaphore_mem>>
        %dma_start3A_835 = arith.constant 0 : i32
        %dma_start3A_836 = tpu.memref_slice %arg7[%mul3A_828, %dma_start3A_835] : memref<768x128xf32, #tpu.memory_space<vmem>> -> memref<32x128xf32, #tpu.memory_space<vmem>>
        %dma_start3A_837 = arith.constant 0 : i32
        %dma_start3A_838 = tpu.memref_slice %arg3[%dma_start3A_837, %multiple_of3A_822] : memref<32x1000000xf32, #tpu.memory_space<hbm>> -> memref<32x128xf32, #tpu.memory_space<hbm>>
        tpu.enqueue_dma source(%dma_start3A_838 : memref<32x128xf32, #tpu.memory_space<hbm>>) target(%dma_start3A_836 : memref<32x128xf32, #tpu.memory_space<vmem>>) target_semaphore(%dma_start3A_834 : memref<!tpu.dma_semaphore, #tpu.memory_space<semaphore_mem>>)
        %slice3A_839 = vector.extract_strided_slice %gather3A_767 {offsets = [3], sizes = [1], strides = [1]} : vector<16xi32> to vector<1xi32>
        %squeeze3A_840 = vector.extract %slice3A_839[0] : i32 from vector<1xi32>
        %shift_right_logical3A_841 = arith.constant 7 : i32
        %shift_right_logical3A_842 = arith.shrui %squeeze3A_840, %shift_right_logical3A_841 : i32
        %mul3A_843 = arith.constant 128 : i32
        %mul3A_844 = arith.muli %shift_right_logical3A_842, %mul3A_843 : i32
        %multiple_of3A_845 = tpu.assume_multiple %mul3A_844, 128 : i32
        %mul3A_846 = arith.constant 12 : i32
        %mul3A_847 = arith.muli %and3A_769, %mul3A_846 : i32
        %add3A_848 = arith.constant 3 : i32
        %add3A_849 = arith.addi %mul3A_847, %add3A_848 : i32
        %mul3A_850 = arith.constant 32 : i32
        %mul3A_851 = arith.muli %add3A_849, %mul3A_850 : i32
        %dma_start3A_852 = arith.constant 0 : i32
        %dma_start3A_853 = tpu.memref_slice %arg7[%mul3A_851, %dma_start3A_852] : memref<768x128xf32, #tpu.memory_space<vmem>> -> memref<32x128xf32, #tpu.memory_space<vmem>>
        %dma_start3A_854 = arith.constant 0 : i32
        %dma_start3A_855 = tpu.memref_slice %arg3[%dma_start3A_854, %multiple_of3A_845] : memref<32x1000000xf32, #tpu.memory_space<hbm>> -> memref<32x128xf32, #tpu.memory_space<hbm>>
        %dma_start3A_856 = tpu.memref_slice %arg9[%and3A_769] : memref<2x!tpu.dma_semaphore, #tpu.memory_space<semaphore_mem>> -> memref<1x!tpu.dma_semaphore, #tpu.memory_space<semaphore_mem>>
        %dma_start3A_857 = tpu.memref_squeeze %dma_start3A_856 : memref<1x!tpu.dma_semaphore, #tpu.memory_space<semaphore_mem>> -> memref<!tpu.dma_semaphore, #tpu.memory_space<semaphore_mem>>
        %dma_start3A_858 = arith.constant 0 : i32
        %dma_start3A_859 = tpu.memref_slice %arg7[%mul3A_851, %dma_start3A_858] : memref<768x128xf32, #tpu.memory_space<vmem>> -> memref<32x128xf32, #tpu.memory_space<vmem>>
        %dma_start3A_860 = arith.constant 0 : i32
        %dma_start3A_861 = tpu.memref_slice %arg3[%dma_start3A_860, %multiple_of3A_845] : memref<32x1000000xf32, #tpu.memory_space<hbm>> -> memref<32x128xf32, #tpu.memory_space<hbm>>
        tpu.enqueue_dma source(%dma_start3A_861 : memref<32x128xf32, #tpu.memory_space<hbm>>) target(%dma_start3A_859 : memref<32x128xf32, #tpu.memory_space<vmem>>) target_semaphore(%dma_start3A_857 : memref<!tpu.dma_semaphore, #tpu.memory_space<semaphore_mem>>)
        %slice3A_862 = vector.extract_strided_slice %gather3A_767 {offsets = [4], sizes = [1], strides = [1]} : vector<16xi32> to vector<1xi32>
        %squeeze3A_863 = vector.extract %slice3A_862[0] : i32 from vector<1xi32>
        %shift_right_logical3A_864 = arith.constant 7 : i32
        %shift_right_logical3A_865 = arith.shrui %squeeze3A_863, %shift_right_logical3A_864 : i32
        %mul3A_866 = arith.constant 128 : i32
        %mul3A_867 = arith.muli %shift_right_logical3A_865, %mul3A_866 : i32
        %multiple_of3A_868 = tpu.assume_multiple %mul3A_867, 128 : i32
        %mul3A_869 = arith.constant 12 : i32
        %mul3A_870 = arith.muli %and3A_769, %mul3A_869 : i32
        %add3A_871 = arith.constant 4 : i32
        %add3A_872 = arith.addi %mul3A_870, %add3A_871 : i32
        %mul3A_873 = arith.constant 32 : i32
        %mul3A_874 = arith.muli %add3A_872, %mul3A_873 : i32
        %dma_start3A_875 = arith.constant 0 : i32
        %dma_start3A_876 = tpu.memref_slice %arg7[%mul3A_874, %dma_start3A_875] : memref<768x128xf32, #tpu.memory_space<vmem>> -> memref<32x128xf32, #tpu.memory_space<vmem>>
        %dma_start3A_877 = arith.constant 0 : i32
        %dma_start3A_878 = tpu.memref_slice %arg4[%dma_start3A_877, %multiple_of3A_868] : memref<32x1000000xf32, #tpu.memory_space<hbm>> -> memref<32x128xf32, #tpu.memory_space<hbm>>
        %dma_start3A_879 = tpu.memref_slice %arg9[%and3A_769] : memref<2x!tpu.dma_semaphore, #tpu.memory_space<semaphore_mem>> -> memref<1x!tpu.dma_semaphore, #tpu.memory_space<semaphore_mem>>
        %dma_start3A_880 = tpu.memref_squeeze %dma_start3A_879 : memref<1x!tpu.dma_semaphore, #tpu.memory_space<semaphore_mem>> -> memref<!tpu.dma_semaphore, #tpu.memory_space<semaphore_mem>>
        %dma_start3A_881 = arith.constant 0 : i32
        %dma_start3A_882 = tpu.memref_slice %arg7[%mul3A_874, %dma_start3A_881] : memref<768x128xf32, #tpu.memory_space<vmem>> -> memref<32x128xf32, #tpu.memory_space<vmem>>
        %dma_start3A_883 = arith.constant 0 : i32
        %dma_start3A_884 = tpu.memref_slice %arg4[%dma_start3A_883, %multiple_of3A_868] : memref<32x1000000xf32, #tpu.memory_space<hbm>> -> memref<32x128xf32, #tpu.memory_space<hbm>>
        tpu.enqueue_dma source(%dma_start3A_884 : memref<32x128xf32, #tpu.memory_space<hbm>>) target(%dma_start3A_882 : memref<32x128xf32, #tpu.memory_space<vmem>>) target_semaphore(%dma_start3A_880 : memref<!tpu.dma_semaphore, #tpu.memory_space<semaphore_mem>>)
        %slice3A_885 = vector.extract_strided_slice %gather3A_767 {offsets = [5], sizes = [1], strides = [1]} : vector<16xi32> to vector<1xi32>
        %squeeze3A_886 = vector.extract %slice3A_885[0] : i32 from vector<1xi32>
        %shift_right_logical3A_887 = arith.constant 7 : i32
        %shift_right_logical3A_888 = arith.shrui %squeeze3A_886, %shift_right_logical3A_887 : i32
        %mul3A_889 = arith.constant 128 : i32
        %mul3A_890 = arith.muli %shift_right_logical3A_888, %mul3A_889 : i32
        %multiple_of3A_891 = tpu.assume_multiple %mul3A_890, 128 : i32
        %mul3A_892 = arith.constant 12 : i32
        %mul3A_893 = arith.muli %and3A_769, %mul3A_892 : i32
        %add3A_894 = arith.constant 5 : i32
        %add3A_895 = arith.addi %mul3A_893, %add3A_894 : i32
        %mul3A_896 = arith.constant 32 : i32
        %mul3A_897 = arith.muli %add3A_895, %mul3A_896 : i32
        %dma_start3A_898 = arith.constant 0 : i32
        %dma_start3A_899 = tpu.memref_slice %arg7[%mul3A_897, %dma_start3A_898] : memref<768x128xf32, #tpu.memory_space<vmem>> -> memref<32x128xf32, #tpu.memory_space<vmem>>
        %dma_start3A_900 = arith.constant 0 : i32
        %dma_start3A_901 = tpu.memref_slice %arg3[%dma_start3A_900, %multiple_of3A_891] : memref<32x1000000xf32, #tpu.memory_space<hbm>> -> memref<32x128xf32, #tpu.memory_space<hbm>>
        %dma_start3A_902 = tpu.memref_slice %arg9[%and3A_769] : memref<2x!tpu.dma_semaphore, #tpu.memory_space<semaphore_mem>> -> memref<1x!tpu.dma_semaphore, #tpu.memory_space<semaphore_mem>>
        %dma_start3A_903 = tpu.memref_squeeze %dma_start3A_902 : memref<1x!tpu.dma_semaphore, #tpu.memory_space<semaphore_mem>> -> memref<!tpu.dma_semaphore, #tpu.memory_space<semaphore_mem>>
        %dma_start3A_904 = arith.constant 0 : i32
        %dma_start3A_905 = tpu.memref_slice %arg7[%mul3A_897, %dma_start3A_904] : memref<768x128xf32, #tpu.memory_space<vmem>> -> memref<32x128xf32, #tpu.memory_space<vmem>>
        %dma_start3A_906 = arith.constant 0 : i32
        %dma_start3A_907 = tpu.memref_slice %arg3[%dma_start3A_906, %multiple_of3A_891] : memref<32x1000000xf32, #tpu.memory_space<hbm>> -> memref<32x128xf32, #tpu.memory_space<hbm>>
        tpu.enqueue_dma source(%dma_start3A_907 : memref<32x128xf32, #tpu.memory_space<hbm>>) target(%dma_start3A_905 : memref<32x128xf32, #tpu.memory_space<vmem>>) target_semaphore(%dma_start3A_903 : memref<!tpu.dma_semaphore, #tpu.memory_space<semaphore_mem>>)
        %slice3A_908 = vector.extract_strided_slice %gather3A_767 {offsets = [6], sizes = [1], strides = [1]} : vector<16xi32> to vector<1xi32>
        %squeeze3A_909 = vector.extract %slice3A_908[0] : i32 from vector<1xi32>
        %shift_right_logical3A_910 = arith.constant 7 : i32
        %shift_right_logical3A_911 = arith.shrui %squeeze3A_909, %shift_right_logical3A_910 : i32
        %mul3A_912 = arith.constant 128 : i32
        %mul3A_913 = arith.muli %shift_right_logical3A_911, %mul3A_912 : i32
        %multiple_of3A_914 = tpu.assume_multiple %mul3A_913, 128 : i32
        %mul3A_915 = arith.constant 12 : i32
        %mul3A_916 = arith.muli %and3A_769, %mul3A_915 : i32
        %add3A_917 = arith.constant 6 : i32
        %add3A_918 = arith.addi %mul3A_916, %add3A_917 : i32
        %mul3A_919 = arith.constant 32 : i32
        %mul3A_920 = arith.muli %add3A_918, %mul3A_919 : i32
        %dma_start3A_921 = arith.constant 0 : i32
        %dma_start3A_922 = tpu.memref_slice %arg7[%mul3A_920, %dma_start3A_921] : memref<768x128xf32, #tpu.memory_space<vmem>> -> memref<32x128xf32, #tpu.memory_space<vmem>>
        %dma_start3A_923 = arith.constant 0 : i32
        %dma_start3A_924 = tpu.memref_slice %arg3[%dma_start3A_923, %multiple_of3A_914] : memref<32x1000000xf32, #tpu.memory_space<hbm>> -> memref<32x128xf32, #tpu.memory_space<hbm>>
        %dma_start3A_925 = tpu.memref_slice %arg9[%and3A_769] : memref<2x!tpu.dma_semaphore, #tpu.memory_space<semaphore_mem>> -> memref<1x!tpu.dma_semaphore, #tpu.memory_space<semaphore_mem>>
        %dma_start3A_926 = tpu.memref_squeeze %dma_start3A_925 : memref<1x!tpu.dma_semaphore, #tpu.memory_space<semaphore_mem>> -> memref<!tpu.dma_semaphore, #tpu.memory_space<semaphore_mem>>
        %dma_start3A_927 = arith.constant 0 : i32
        %dma_start3A_928 = tpu.memref_slice %arg7[%mul3A_920, %dma_start3A_927] : memref<768x128xf32, #tpu.memory_space<vmem>> -> memref<32x128xf32, #tpu.memory_space<vmem>>
        %dma_start3A_929 = arith.constant 0 : i32
        %dma_start3A_930 = tpu.memref_slice %arg3[%dma_start3A_929, %multiple_of3A_914] : memref<32x1000000xf32, #tpu.memory_space<hbm>> -> memref<32x128xf32, #tpu.memory_space<hbm>>
        tpu.enqueue_dma source(%dma_start3A_930 : memref<32x128xf32, #tpu.memory_space<hbm>>) target(%dma_start3A_928 : memref<32x128xf32, #tpu.memory_space<vmem>>) target_semaphore(%dma_start3A_926 : memref<!tpu.dma_semaphore, #tpu.memory_space<semaphore_mem>>)
        %slice3A_931 = vector.extract_strided_slice %gather3A_767 {offsets = [7], sizes = [1], strides = [1]} : vector<16xi32> to vector<1xi32>
        %squeeze3A_932 = vector.extract %slice3A_931[0] : i32 from vector<1xi32>
        %shift_right_logical3A_933 = arith.constant 7 : i32
        %shift_right_logical3A_934 = arith.shrui %squeeze3A_932, %shift_right_logical3A_933 : i32
        %mul3A_935 = arith.constant 128 : i32
        %mul3A_936 = arith.muli %shift_right_logical3A_934, %mul3A_935 : i32
        %multiple_of3A_937 = tpu.assume_multiple %mul3A_936, 128 : i32
        %mul3A_938 = arith.constant 12 : i32
        %mul3A_939 = arith.muli %and3A_769, %mul3A_938 : i32
        %add3A_940 = arith.constant 7 : i32
        %add3A_941 = arith.addi %mul3A_939, %add3A_940 : i32
        %mul3A_942 = arith.constant 32 : i32
        %mul3A_943 = arith.muli %add3A_941, %mul3A_942 : i32
        %dma_start3A_944 = arith.constant 0 : i32
        %dma_start3A_945 = tpu.memref_slice %arg7[%mul3A_943, %dma_start3A_944] : memref<768x128xf32, #tpu.memory_space<vmem>> -> memref<32x128xf32, #tpu.memory_space<vmem>>
        %dma_start3A_946 = arith.constant 0 : i32
        %dma_start3A_947 = tpu.memref_slice %arg4[%dma_start3A_946, %multiple_of3A_937] : memref<32x1000000xf32, #tpu.memory_space<hbm>> -> memref<32x128xf32, #tpu.memory_space<hbm>>
        %dma_start3A_948 = tpu.memref_slice %arg9[%and3A_769] : memref<2x!tpu.dma_semaphore, #tpu.memory_space<semaphore_mem>> -> memref<1x!tpu.dma_semaphore, #tpu.memory_space<semaphore_mem>>
        %dma_start3A_949 = tpu.memref_squeeze %dma_start3A_948 : memref<1x!tpu.dma_semaphore, #tpu.memory_space<semaphore_mem>> -> memref<!tpu.dma_semaphore, #tpu.memory_space<semaphore_mem>>
        %dma_start3A_950 = arith.constant 0 : i32
        %dma_start3A_951 = tpu.memref_slice %arg7[%mul3A_943, %dma_start3A_950] : memref<768x128xf32, #tpu.memory_space<vmem>> -> memref<32x128xf32, #tpu.memory_space<vmem>>
        %dma_start3A_952 = arith.constant 0 : i32
        %dma_start3A_953 = tpu.memref_slice %arg4[%dma_start3A_952, %multiple_of3A_937] : memref<32x1000000xf32, #tpu.memory_space<hbm>> -> memref<32x128xf32, #tpu.memory_space<hbm>>
        tpu.enqueue_dma source(%dma_start3A_953 : memref<32x128xf32, #tpu.memory_space<hbm>>) target(%dma_start3A_951 : memref<32x128xf32, #tpu.memory_space<vmem>>) target_semaphore(%dma_start3A_949 : memref<!tpu.dma_semaphore, #tpu.memory_space<semaphore_mem>>)
        %slice3A_954 = vector.extract_strided_slice %gather3A_767 {offsets = [8], sizes = [1], strides = [1]} : vector<16xi32> to vector<1xi32>
        %squeeze3A_955 = vector.extract %slice3A_954[0] : i32 from vector<1xi32>
        %shift_right_logical3A_956 = arith.constant 7 : i32
        %shift_right_logical3A_957 = arith.shrui %squeeze3A_955, %shift_right_logical3A_956 : i32
        %mul3A_958 = arith.constant 128 : i32
        %mul3A_959 = arith.muli %shift_right_logical3A_957, %mul3A_958 : i32
        %multiple_of3A_960 = tpu.assume_multiple %mul3A_959, 128 : i32
        %mul3A_961 = arith.constant 12 : i32
        %mul3A_962 = arith.muli %and3A_769, %mul3A_961 : i32
        %add3A_963 = arith.constant 8 : i32
        %add3A_964 = arith.addi %mul3A_962, %add3A_963 : i32
        %mul3A_965 = arith.constant 32 : i32
        %mul3A_966 = arith.muli %add3A_964, %mul3A_965 : i32
        %dma_start3A_967 = arith.constant 0 : i32
        %dma_start3A_968 = tpu.memref_slice %arg7[%mul3A_966, %dma_start3A_967] : memref<768x128xf32, #tpu.memory_space<vmem>> -> memref<32x128xf32, #tpu.memory_space<vmem>>
        %dma_start3A_969 = arith.constant 0 : i32
        %dma_start3A_970 = tpu.memref_slice %arg3[%dma_start3A_969, %multiple_of3A_960] : memref<32x1000000xf32, #tpu.memory_space<hbm>> -> memref<32x128xf32, #tpu.memory_space<hbm>>
        %dma_start3A_971 = tpu.memref_slice %arg9[%and3A_769] : memref<2x!tpu.dma_semaphore, #tpu.memory_space<semaphore_mem>> -> memref<1x!tpu.dma_semaphore, #tpu.memory_space<semaphore_mem>>
        %dma_start3A_972 = tpu.memref_squeeze %dma_start3A_971 : memref<1x!tpu.dma_semaphore, #tpu.memory_space<semaphore_mem>> -> memref<!tpu.dma_semaphore, #tpu.memory_space<semaphore_mem>>
        %dma_start3A_973 = arith.constant 0 : i32
        %dma_start3A_974 = tpu.memref_slice %arg7[%mul3A_966, %dma_start3A_973] : memref<768x128xf32, #tpu.memory_space<vmem>> -> memref<32x128xf32, #tpu.memory_space<vmem>>
        %dma_start3A_975 = arith.constant 0 : i32
        %dma_start3A_976 = tpu.memref_slice %arg3[%dma_start3A_975, %multiple_of3A_960] : memref<32x1000000xf32, #tpu.memory_space<hbm>> -> memref<32x128xf32, #tpu.memory_space<hbm>>
        tpu.enqueue_dma source(%dma_start3A_976 : memref<32x128xf32, #tpu.memory_space<hbm>>) target(%dma_start3A_974 : memref<32x128xf32, #tpu.memory_space<vmem>>) target_semaphore(%dma_start3A_972 : memref<!tpu.dma_semaphore, #tpu.memory_space<semaphore_mem>>)
        %slice3A_977 = vector.extract_strided_slice %gather3A_767 {offsets = [9], sizes = [1], strides = [1]} : vector<16xi32> to vector<1xi32>
        %squeeze3A_978 = vector.extract %slice3A_977[0] : i32 from vector<1xi32>
        %shift_right_logical3A_979 = arith.constant 7 : i32
        %shift_right_logical3A_980 = arith.shrui %squeeze3A_978, %shift_right_logical3A_979 : i32
        %mul3A_981 = arith.constant 128 : i32
        %mul3A_982 = arith.muli %shift_right_logical3A_980, %mul3A_981 : i32
        %multiple_of3A_983 = tpu.assume_multiple %mul3A_982, 128 : i32
        %mul3A_984 = arith.constant 12 : i32
        %mul3A_985 = arith.muli %and3A_769, %mul3A_984 : i32
        %add3A_986 = arith.constant 9 : i32
        %add3A_987 = arith.addi %mul3A_985, %add3A_986 : i32
        %mul3A_988 = arith.constant 32 : i32
        %mul3A_989 = arith.muli %add3A_987, %mul3A_988 : i32
        %dma_start3A_990 = arith.constant 0 : i32
        %dma_start3A_991 = tpu.memref_slice %arg7[%mul3A_989, %dma_start3A_990] : memref<768x128xf32, #tpu.memory_space<vmem>> -> memref<32x128xf32, #tpu.memory_space<vmem>>
        %dma_start3A_992 = arith.constant 0 : i32
        %dma_start3A_993 = tpu.memref_slice %arg3[%dma_start3A_992, %multiple_of3A_983] : memref<32x1000000xf32, #tpu.memory_space<hbm>> -> memref<32x128xf32, #tpu.memory_space<hbm>>
        %dma_start3A_994 = tpu.memref_slice %arg9[%and3A_769] : memref<2x!tpu.dma_semaphore, #tpu.memory_space<semaphore_mem>> -> memref<1x!tpu.dma_semaphore, #tpu.memory_space<semaphore_mem>>
        %dma_start3A_995 = tpu.memref_squeeze %dma_start3A_994 : memref<1x!tpu.dma_semaphore, #tpu.memory_space<semaphore_mem>> -> memref<!tpu.dma_semaphore, #tpu.memory_space<semaphore_mem>>
        %dma_start3A_996 = arith.constant 0 : i32
        %dma_start3A_997 = tpu.memref_slice %arg7[%mul3A_989, %dma_start3A_996] : memref<768x128xf32, #tpu.memory_space<vmem>> -> memref<32x128xf32, #tpu.memory_space<vmem>>
        %dma_start3A_998 = arith.constant 0 : i32
        %dma_start3A_999 = tpu.memref_slice %arg3[%dma_start3A_998, %multiple_of3A_983] : memref<32x1000000xf32, #tpu.memory_space<hbm>> -> memref<32x128xf32, #tpu.memory_space<hbm>>
        tpu.enqueue_dma source(%dma_start3A_999 : memref<32x128xf32, #tpu.memory_space<hbm>>) target(%dma_start3A_997 : memref<32x128xf32, #tpu.memory_space<vmem>>) target_semaphore(%dma_start3A_995 : memref<!tpu.dma_semaphore, #tpu.memory_space<semaphore_mem>>)
        %slice3A_1000 = vector.extract_strided_slice %gather3A_767 {offsets = [10], sizes = [1], strides = [1]} : vector<16xi32> to vector<1xi32>
        %squeeze3A_1001 = vector.extract %slice3A_1000[0] : i32 from vector<1xi32>
        %shift_right_logical3A_1002 = arith.constant 7 : i32
        %shift_right_logical3A_1003 = arith.shrui %squeeze3A_1001, %shift_right_logical3A_1002 : i32
        %mul3A_1004 = arith.constant 128 : i32
        %mul3A_1005 = arith.muli %shift_right_logical3A_1003, %mul3A_1004 : i32
        %multiple_of3A_1006 = tpu.assume_multiple %mul3A_1005, 128 : i32
        %mul3A_1007 = arith.constant 12 : i32
        %mul3A_1008 = arith.muli %and3A_769, %mul3A_1007 : i32
        %add3A_1009 = arith.constant 10 : i32
        %add3A_1010 = arith.addi %mul3A_1008, %add3A_1009 : i32
        %mul3A_1011 = arith.constant 32 : i32
        %mul3A_1012 = arith.muli %add3A_1010, %mul3A_1011 : i32
        %dma_start3A_1013 = arith.constant 0 : i32
        %dma_start3A_1014 = tpu.memref_slice %arg7[%mul3A_1012, %dma_start3A_1013] : memref<768x128xf32, #tpu.memory_space<vmem>> -> memref<32x128xf32, #tpu.memory_space<vmem>>
        %dma_start3A_1015 = arith.constant 0 : i32
        %dma_start3A_1016 = tpu.memref_slice %arg4[%dma_start3A_1015, %multiple_of3A_1006] : memref<32x1000000xf32, #tpu.memory_space<hbm>> -> memref<32x128xf32, #tpu.memory_space<hbm>>
        %dma_start3A_1017 = tpu.memref_slice %arg9[%and3A_769] : memref<2x!tpu.dma_semaphore, #tpu.memory_space<semaphore_mem>> -> memref<1x!tpu.dma_semaphore, #tpu.memory_space<semaphore_mem>>
        %dma_start3A_1018 = tpu.memref_squeeze %dma_start3A_1017 : memref<1x!tpu.dma_semaphore, #tpu.memory_space<semaphore_mem>> -> memref<!tpu.dma_semaphore, #tpu.memory_space<semaphore_mem>>
        %dma_start3A_1019 = arith.constant 0 : i32
        %dma_start3A_1020 = tpu.memref_slice %arg7[%mul3A_1012, %dma_start3A_1019] : memref<768x128xf32, #tpu.memory_space<vmem>> -> memref<32x128xf32, #tpu.memory_space<vmem>>
        %dma_start3A_1021 = arith.constant 0 : i32
        %dma_start3A_1022 = tpu.memref_slice %arg4[%dma_start3A_1021, %multiple_of3A_1006] : memref<32x1000000xf32, #tpu.memory_space<hbm>> -> memref<32x128xf32, #tpu.memory_space<hbm>>
        tpu.enqueue_dma source(%dma_start3A_1022 : memref<32x128xf32, #tpu.memory_space<hbm>>) target(%dma_start3A_1020 : memref<32x128xf32, #tpu.memory_space<vmem>>) target_semaphore(%dma_start3A_1018 : memref<!tpu.dma_semaphore, #tpu.memory_space<semaphore_mem>>)
        %slice3A_1023 = vector.extract_strided_slice %gather3A_767 {offsets = [11], sizes = [1], strides = [1]} : vector<16xi32> to vector<1xi32>
        %squeeze3A_1024 = vector.extract %slice3A_1023[0] : i32 from vector<1xi32>
        %shift_right_logical3A_1025 = arith.constant 7 : i32
        %shift_right_logical3A_1026 = arith.shrui %squeeze3A_1024, %shift_right_logical3A_1025 : i32
        %mul3A_1027 = arith.constant 128 : i32
        %mul3A_1028 = arith.muli %shift_right_logical3A_1026, %mul3A_1027 : i32
        %multiple_of3A_1029 = tpu.assume_multiple %mul3A_1028, 128 : i32
        %mul3A_1030 = arith.constant 12 : i32
        %mul3A_1031 = arith.muli %and3A_769, %mul3A_1030 : i32
        %add3A_1032 = arith.constant 11 : i32
        %add3A_1033 = arith.addi %mul3A_1031, %add3A_1032 : i32
        %mul3A_1034 = arith.constant 32 : i32
        %mul3A_1035 = arith.muli %add3A_1033, %mul3A_1034 : i32
        %dma_start3A_1036 = arith.constant 0 : i32
        %dma_start3A_1037 = tpu.memref_slice %arg7[%mul3A_1035, %dma_start3A_1036] : memref<768x128xf32, #tpu.memory_space<vmem>> -> memref<32x128xf32, #tpu.memory_space<vmem>>
        %dma_start3A_1038 = arith.constant 0 : i32
        %dma_start3A_1039 = tpu.memref_slice %arg3[%dma_start3A_1038, %multiple_of3A_1029] : memref<32x1000000xf32, #tpu.memory_space<hbm>> -> memref<32x128xf32, #tpu.memory_space<hbm>>
        %dma_start3A_1040 = tpu.memref_slice %arg9[%and3A_769] : memref<2x!tpu.dma_semaphore, #tpu.memory_space<semaphore_mem>> -> memref<1x!tpu.dma_semaphore, #tpu.memory_space<semaphore_mem>>
        %dma_start3A_1041 = tpu.memref_squeeze %dma_start3A_1040 : memref<1x!tpu.dma_semaphore, #tpu.memory_space<semaphore_mem>> -> memref<!tpu.dma_semaphore, #tpu.memory_space<semaphore_mem>>
        %dma_start3A_1042 = arith.constant 0 : i32
        %dma_start3A_1043 = tpu.memref_slice %arg7[%mul3A_1035, %dma_start3A_1042] : memref<768x128xf32, #tpu.memory_space<vmem>> -> memref<32x128xf32, #tpu.memory_space<vmem>>
        %dma_start3A_1044 = arith.constant 0 : i32
        %dma_start3A_1045 = tpu.memref_slice %arg3[%dma_start3A_1044, %multiple_of3A_1029] : memref<32x1000000xf32, #tpu.memory_space<hbm>> -> memref<32x128xf32, #tpu.memory_space<hbm>>
        tpu.enqueue_dma source(%dma_start3A_1045 : memref<32x128xf32, #tpu.memory_space<hbm>>) target(%dma_start3A_1043 : memref<32x128xf32, #tpu.memory_space<vmem>>) target_semaphore(%dma_start3A_1041 : memref<!tpu.dma_semaphore, #tpu.memory_space<semaphore_mem>>)
      } else {
      }
      %and3A = arith.constant 1 : i32
      %and3A_257 = arith.andi %scan3A_251, %and3A : i32
      %dma_wait3A = arith.constant 0 : i32
      %dma_wait3A_258 = arith.constant 0 : i32
      %dma_wait3A_259 = tpu.memref_slice %arg7[%dma_wait3A, %dma_wait3A_258] : memref<768x128xf32, #tpu.memory_space<vmem>> -> memref<32x128xf32, #tpu.memory_space<vmem>>
      %dma_wait3A_260 = arith.constant 0 : i32
      %dma_wait3A_261 = arith.constant 0 : i32
      %dma_wait3A_262 = tpu.memref_slice %arg3[%dma_wait3A_260, %dma_wait3A_261] : memref<32x1000000xf32, #tpu.memory_space<hbm>> -> memref<32x128xf32, #tpu.memory_space<hbm>>
      %dma_wait3A_263 = tpu.memref_slice %arg9[%and3A_257] : memref<2x!tpu.dma_semaphore, #tpu.memory_space<semaphore_mem>> -> memref<1x!tpu.dma_semaphore, #tpu.memory_space<semaphore_mem>>
      %dma_wait3A_264 = tpu.memref_squeeze %dma_wait3A_263 : memref<1x!tpu.dma_semaphore, #tpu.memory_space<semaphore_mem>> -> memref<!tpu.dma_semaphore, #tpu.memory_space<semaphore_mem>>
      %dma_wait3A_265 = arith.constant 0 : i32
      %dma_wait3A_266 = arith.constant 0 : i32
      %dma_wait3A_267 = tpu.memref_slice %arg7[%dma_wait3A_265, %dma_wait3A_266] : memref<768x128xf32, #tpu.memory_space<vmem>> -> memref<32x128xf32, #tpu.memory_space<vmem>>
      %dma_wait3A_268 = arith.constant 0 : i32
      %dma_wait3A_269 = arith.constant 0 : i32
      %dma_wait3A_270 = tpu.memref_slice %arg3[%dma_wait3A_268, %dma_wait3A_269] : memref<32x1000000xf32, #tpu.memory_space<hbm>> -> memref<32x128xf32, #tpu.memory_space<hbm>>
      tpu.wait_dma2 semaphore(%dma_wait3A_264 : memref<!tpu.dma_semaphore, #tpu.memory_space<semaphore_mem>>) src(%dma_wait3A_270 : memref<32x128xf32, #tpu.memory_space<hbm>>) dst(%dma_wait3A_267 : memref<32x128xf32, #tpu.memory_space<vmem>>)
      %dma_wait3A_271 = arith.constant 0 : i32
      %dma_wait3A_272 = arith.constant 0 : i32
      %dma_wait3A_273 = tpu.memref_slice %arg7[%dma_wait3A_271, %dma_wait3A_272] : memref<768x128xf32, #tpu.memory_space<vmem>> -> memref<32x128xf32, #tpu.memory_space<vmem>>
      %dma_wait3A_274 = arith.constant 0 : i32
      %dma_wait3A_275 = arith.constant 0 : i32
      %dma_wait3A_276 = tpu.memref_slice %arg3[%dma_wait3A_274, %dma_wait3A_275] : memref<32x1000000xf32, #tpu.memory_space<hbm>> -> memref<32x128xf32, #tpu.memory_space<hbm>>
      %dma_wait3A_277 = tpu.memref_slice %arg9[%and3A_257] : memref<2x!tpu.dma_semaphore, #tpu.memory_space<semaphore_mem>> -> memref<1x!tpu.dma_semaphore, #tpu.memory_space<semaphore_mem>>
      %dma_wait3A_278 = tpu.memref_squeeze %dma_wait3A_277 : memref<1x!tpu.dma_semaphore, #tpu.memory_space<semaphore_mem>> -> memref<!tpu.dma_semaphore, #tpu.memory_space<semaphore_mem>>
      %dma_wait3A_279 = arith.constant 0 : i32
      %dma_wait3A_280 = arith.constant 0 : i32
      %dma_wait3A_281 = tpu.memref_slice %arg7[%dma_wait3A_279, %dma_wait3A_280] : memref<768x128xf32, #tpu.memory_space<vmem>> -> memref<32x128xf32, #tpu.memory_space<vmem>>
      %dma_wait3A_282 = arith.constant 0 : i32
      %dma_wait3A_283 = arith.constant 0 : i32
      %dma_wait3A_284 = tpu.memref_slice %arg3[%dma_wait3A_282, %dma_wait3A_283] : memref<32x1000000xf32, #tpu.memory_space<hbm>> -> memref<32x128xf32, #tpu.memory_space<hbm>>
      tpu.wait_dma2 semaphore(%dma_wait3A_278 : memref<!tpu.dma_semaphore, #tpu.memory_space<semaphore_mem>>) src(%dma_wait3A_284 : memref<32x128xf32, #tpu.memory_space<hbm>>) dst(%dma_wait3A_281 : memref<32x128xf32, #tpu.memory_space<vmem>>)
      %dma_wait3A_285 = arith.constant 0 : i32
      %dma_wait3A_286 = arith.constant 0 : i32
      %dma_wait3A_287 = tpu.memref_slice %arg7[%dma_wait3A_285, %dma_wait3A_286] : memref<768x128xf32, #tpu.memory_space<vmem>> -> memref<32x128xf32, #tpu.memory_space<vmem>>
      %dma_wait3A_288 = arith.constant 0 : i32
      %dma_wait3A_289 = arith.constant 0 : i32
      %dma_wait3A_290 = tpu.memref_slice %arg3[%dma_wait3A_288, %dma_wait3A_289] : memref<32x1000000xf32, #tpu.memory_space<hbm>> -> memref<32x128xf32, #tpu.memory_space<hbm>>
      %dma_wait3A_291 = tpu.memref_slice %arg9[%and3A_257] : memref<2x!tpu.dma_semaphore, #tpu.memory_space<semaphore_mem>> -> memref<1x!tpu.dma_semaphore, #tpu.memory_space<semaphore_mem>>
      %dma_wait3A_292 = tpu.memref_squeeze %dma_wait3A_291 : memref<1x!tpu.dma_semaphore, #tpu.memory_space<semaphore_mem>> -> memref<!tpu.dma_semaphore, #tpu.memory_space<semaphore_mem>>
      %dma_wait3A_293 = arith.constant 0 : i32
      %dma_wait3A_294 = arith.constant 0 : i32
      %dma_wait3A_295 = tpu.memref_slice %arg7[%dma_wait3A_293, %dma_wait3A_294] : memref<768x128xf32, #tpu.memory_space<vmem>> -> memref<32x128xf32, #tpu.memory_space<vmem>>
      %dma_wait3A_296 = arith.constant 0 : i32
      %dma_wait3A_297 = arith.constant 0 : i32
      %dma_wait3A_298 = tpu.memref_slice %arg3[%dma_wait3A_296, %dma_wait3A_297] : memref<32x1000000xf32, #tpu.memory_space<hbm>> -> memref<32x128xf32, #tpu.memory_space<hbm>>
      tpu.wait_dma2 semaphore(%dma_wait3A_292 : memref<!tpu.dma_semaphore, #tpu.memory_space<semaphore_mem>>) src(%dma_wait3A_298 : memref<32x128xf32, #tpu.memory_space<hbm>>) dst(%dma_wait3A_295 : memref<32x128xf32, #tpu.memory_space<vmem>>)
      %dma_wait3A_299 = arith.constant 0 : i32
      %dma_wait3A_300 = arith.constant 0 : i32
      %dma_wait3A_301 = tpu.memref_slice %arg7[%dma_wait3A_299, %dma_wait3A_300] : memref<768x128xf32, #tpu.memory_space<vmem>> -> memref<32x128xf32, #tpu.memory_space<vmem>>
      %dma_wait3A_302 = arith.constant 0 : i32
      %dma_wait3A_303 = arith.constant 0 : i32
      %dma_wait3A_304 = tpu.memref_slice %arg3[%dma_wait3A_302, %dma_wait3A_303] : memref<32x1000000xf32, #tpu.memory_space<hbm>> -> memref<32x128xf32, #tpu.memory_space<hbm>>
      %dma_wait3A_305 = tpu.memref_slice %arg9[%and3A_257] : memref<2x!tpu.dma_semaphore, #tpu.memory_space<semaphore_mem>> -> memref<1x!tpu.dma_semaphore, #tpu.memory_space<semaphore_mem>>
      %dma_wait3A_306 = tpu.memref_squeeze %dma_wait3A_305 : memref<1x!tpu.dma_semaphore, #tpu.memory_space<semaphore_mem>> -> memref<!tpu.dma_semaphore, #tpu.memory_space<semaphore_mem>>
      %dma_wait3A_307 = arith.constant 0 : i32
      %dma_wait3A_308 = arith.constant 0 : i32
      %dma_wait3A_309 = tpu.memref_slice %arg7[%dma_wait3A_307, %dma_wait3A_308] : memref<768x128xf32, #tpu.memory_space<vmem>> -> memref<32x128xf32, #tpu.memory_space<vmem>>
      %dma_wait3A_310 = arith.constant 0 : i32
      %dma_wait3A_311 = arith.constant 0 : i32
      %dma_wait3A_312 = tpu.memref_slice %arg3[%dma_wait3A_310, %dma_wait3A_311] : memref<32x1000000xf32, #tpu.memory_space<hbm>> -> memref<32x128xf32, #tpu.memory_space<hbm>>
      tpu.wait_dma2 semaphore(%dma_wait3A_306 : memref<!tpu.dma_semaphore, #tpu.memory_space<semaphore_mem>>) src(%dma_wait3A_312 : memref<32x128xf32, #tpu.memory_space<hbm>>) dst(%dma_wait3A_309 : memref<32x128xf32, #tpu.memory_space<vmem>>)
      %dma_wait3A_313 = arith.constant 0 : i32
      %dma_wait3A_314 = arith.constant 0 : i32
      %dma_wait3A_315 = tpu.memref_slice %arg7[%dma_wait3A_313, %dma_wait3A_314] : memref<768x128xf32, #tpu.memory_space<vmem>> -> memref<32x128xf32, #tpu.memory_space<vmem>>
      %dma_wait3A_316 = arith.constant 0 : i32
      %dma_wait3A_317 = arith.constant 0 : i32
      %dma_wait3A_318 = tpu.memref_slice %arg3[%dma_wait3A_316, %dma_wait3A_317] : memref<32x1000000xf32, #tpu.memory_space<hbm>> -> memref<32x128xf32, #tpu.memory_space<hbm>>
      %dma_wait3A_319 = tpu.memref_slice %arg9[%and3A_257] : memref<2x!tpu.dma_semaphore, #tpu.memory_space<semaphore_mem>> -> memref<1x!tpu.dma_semaphore, #tpu.memory_space<semaphore_mem>>
      %dma_wait3A_320 = tpu.memref_squeeze %dma_wait3A_319 : memref<1x!tpu.dma_semaphore, #tpu.memory_space<semaphore_mem>> -> memref<!tpu.dma_semaphore, #tpu.memory_space<semaphore_mem>>
      %dma_wait3A_321 = arith.constant 0 : i32
      %dma_wait3A_322 = arith.constant 0 : i32
      %dma_wait3A_323 = tpu.memref_slice %arg7[%dma_wait3A_321, %dma_wait3A_322] : memref<768x128xf32, #tpu.memory_space<vmem>> -> memref<32x128xf32, #tpu.memory_space<vmem>>
      %dma_wait3A_324 = arith.constant 0 : i32
      %dma_wait3A_325 = arith.constant 0 : i32
      %dma_wait3A_326 = tpu.memref_slice %arg3[%dma_wait3A_324, %dma_wait3A_325] : memref<32x1000000xf32, #tpu.memory_space<hbm>> -> memref<32x128xf32, #tpu.memory_space<hbm>>
      tpu.wait_dma2 semaphore(%dma_wait3A_320 : memref<!tpu.dma_semaphore, #tpu.memory_space<semaphore_mem>>) src(%dma_wait3A_326 : memref<32x128xf32, #tpu.memory_space<hbm>>) dst(%dma_wait3A_323 : memref<32x128xf32, #tpu.memory_space<vmem>>)
      %dma_wait3A_327 = arith.constant 0 : i32
      %dma_wait3A_328 = arith.constant 0 : i32
      %dma_wait3A_329 = tpu.memref_slice %arg7[%dma_wait3A_327, %dma_wait3A_328] : memref<768x128xf32, #tpu.memory_space<vmem>> -> memref<32x128xf32, #tpu.memory_space<vmem>>
      %dma_wait3A_330 = arith.constant 0 : i32
      %dma_wait3A_331 = arith.constant 0 : i32
      %dma_wait3A_332 = tpu.memref_slice %arg3[%dma_wait3A_330, %dma_wait3A_331] : memref<32x1000000xf32, #tpu.memory_space<hbm>> -> memref<32x128xf32, #tpu.memory_space<hbm>>
      %dma_wait3A_333 = tpu.memref_slice %arg9[%and3A_257] : memref<2x!tpu.dma_semaphore, #tpu.memory_space<semaphore_mem>> -> memref<1x!tpu.dma_semaphore, #tpu.memory_space<semaphore_mem>>
      %dma_wait3A_334 = tpu.memref_squeeze %dma_wait3A_333 : memref<1x!tpu.dma_semaphore, #tpu.memory_space<semaphore_mem>> -> memref<!tpu.dma_semaphore, #tpu.memory_space<semaphore_mem>>
      %dma_wait3A_335 = arith.constant 0 : i32
      %dma_wait3A_336 = arith.constant 0 : i32
      %dma_wait3A_337 = tpu.memref_slice %arg7[%dma_wait3A_335, %dma_wait3A_336] : memref<768x128xf32, #tpu.memory_space<vmem>> -> memref<32x128xf32, #tpu.memory_space<vmem>>
      %dma_wait3A_338 = arith.constant 0 : i32
      %dma_wait3A_339 = arith.constant 0 : i32
      %dma_wait3A_340 = tpu.memref_slice %arg3[%dma_wait3A_338, %dma_wait3A_339] : memref<32x1000000xf32, #tpu.memory_space<hbm>> -> memref<32x128xf32, #tpu.memory_space<hbm>>
      tpu.wait_dma2 semaphore(%dma_wait3A_334 : memref<!tpu.dma_semaphore, #tpu.memory_space<semaphore_mem>>) src(%dma_wait3A_340 : memref<32x128xf32, #tpu.memory_space<hbm>>) dst(%dma_wait3A_337 : memref<32x128xf32, #tpu.memory_space<vmem>>)
      %dma_wait3A_341 = arith.constant 0 : i32
      %dma_wait3A_342 = arith.constant 0 : i32
      %dma_wait3A_343 = tpu.memref_slice %arg7[%dma_wait3A_341, %dma_wait3A_342] : memref<768x128xf32, #tpu.memory_space<vmem>> -> memref<32x128xf32, #tpu.memory_space<vmem>>
      %dma_wait3A_344 = arith.constant 0 : i32
      %dma_wait3A_345 = arith.constant 0 : i32
      %dma_wait3A_346 = tpu.memref_slice %arg3[%dma_wait3A_344, %dma_wait3A_345] : memref<32x1000000xf32, #tpu.memory_space<hbm>> -> memref<32x128xf32, #tpu.memory_space<hbm>>
      %dma_wait3A_347 = tpu.memref_slice %arg9[%and3A_257] : memref<2x!tpu.dma_semaphore, #tpu.memory_space<semaphore_mem>> -> memref<1x!tpu.dma_semaphore, #tpu.memory_space<semaphore_mem>>
      %dma_wait3A_348 = tpu.memref_squeeze %dma_wait3A_347 : memref<1x!tpu.dma_semaphore, #tpu.memory_space<semaphore_mem>> -> memref<!tpu.dma_semaphore, #tpu.memory_space<semaphore_mem>>
      %dma_wait3A_349 = arith.constant 0 : i32
      %dma_wait3A_350 = arith.constant 0 : i32
      %dma_wait3A_351 = tpu.memref_slice %arg7[%dma_wait3A_349, %dma_wait3A_350] : memref<768x128xf32, #tpu.memory_space<vmem>> -> memref<32x128xf32, #tpu.memory_space<vmem>>
      %dma_wait3A_352 = arith.constant 0 : i32
      %dma_wait3A_353 = arith.constant 0 : i32
      %dma_wait3A_354 = tpu.memref_slice %arg3[%dma_wait3A_352, %dma_wait3A_353] : memref<32x1000000xf32, #tpu.memory_space<hbm>> -> memref<32x128xf32, #tpu.memory_space<hbm>>
      tpu.wait_dma2 semaphore(%dma_wait3A_348 : memref<!tpu.dma_semaphore, #tpu.memory_space<semaphore_mem>>) src(%dma_wait3A_354 : memref<32x128xf32, #tpu.memory_space<hbm>>) dst(%dma_wait3A_351 : memref<32x128xf32, #tpu.memory_space<vmem>>)
      %dma_wait3A_355 = arith.constant 0 : i32
      %dma_wait3A_356 = arith.constant 0 : i32
      %dma_wait3A_357 = tpu.memref_slice %arg7[%dma_wait3A_355, %dma_wait3A_356] : memref<768x128xf32, #tpu.memory_space<vmem>> -> memref<32x128xf32, #tpu.memory_space<vmem>>
      %dma_wait3A_358 = arith.constant 0 : i32
      %dma_wait3A_359 = arith.constant 0 : i32
      %dma_wait3A_360 = tpu.memref_slice %arg3[%dma_wait3A_358, %dma_wait3A_359] : memref<32x1000000xf32, #tpu.memory_space<hbm>> -> memref<32x128xf32, #tpu.memory_space<hbm>>
      %dma_wait3A_361 = tpu.memref_slice %arg9[%and3A_257] : memref<2x!tpu.dma_semaphore, #tpu.memory_space<semaphore_mem>> -> memref<1x!tpu.dma_semaphore, #tpu.memory_space<semaphore_mem>>
      %dma_wait3A_362 = tpu.memref_squeeze %dma_wait3A_361 : memref<1x!tpu.dma_semaphore, #tpu.memory_space<semaphore_mem>> -> memref<!tpu.dma_semaphore, #tpu.memory_space<semaphore_mem>>
      %dma_wait3A_363 = arith.constant 0 : i32
      %dma_wait3A_364 = arith.constant 0 : i32
      %dma_wait3A_365 = tpu.memref_slice %arg7[%dma_wait3A_363, %dma_wait3A_364] : memref<768x128xf32, #tpu.memory_space<vmem>> -> memref<32x128xf32, #tpu.memory_space<vmem>>
      %dma_wait3A_366 = arith.constant 0 : i32
      %dma_wait3A_367 = arith.constant 0 : i32
      %dma_wait3A_368 = tpu.memref_slice %arg3[%dma_wait3A_366, %dma_wait3A_367] : memref<32x1000000xf32, #tpu.memory_space<hbm>> -> memref<32x128xf32, #tpu.memory_space<hbm>>
      tpu.wait_dma2 semaphore(%dma_wait3A_362 : memref<!tpu.dma_semaphore, #tpu.memory_space<semaphore_mem>>) src(%dma_wait3A_368 : memref<32x128xf32, #tpu.memory_space<hbm>>) dst(%dma_wait3A_365 : memref<32x128xf32, #tpu.memory_space<vmem>>)
      %dma_wait3A_369 = arith.constant 0 : i32
      %dma_wait3A_370 = arith.constant 0 : i32
      %dma_wait3A_371 = tpu.memref_slice %arg7[%dma_wait3A_369, %dma_wait3A_370] : memref<768x128xf32, #tpu.memory_space<vmem>> -> memref<32x128xf32, #tpu.memory_space<vmem>>
      %dma_wait3A_372 = arith.constant 0 : i32
      %dma_wait3A_373 = arith.constant 0 : i32
      %dma_wait3A_374 = tpu.memref_slice %arg3[%dma_wait3A_372, %dma_wait3A_373] : memref<32x1000000xf32, #tpu.memory_space<hbm>> -> memref<32x128xf32, #tpu.memory_space<hbm>>
      %dma_wait3A_375 = tpu.memref_slice %arg9[%and3A_257] : memref<2x!tpu.dma_semaphore, #tpu.memory_space<semaphore_mem>> -> memref<1x!tpu.dma_semaphore, #tpu.memory_space<semaphore_mem>>
      %dma_wait3A_376 = tpu.memref_squeeze %dma_wait3A_375 : memref<1x!tpu.dma_semaphore, #tpu.memory_space<semaphore_mem>> -> memref<!tpu.dma_semaphore, #tpu.memory_space<semaphore_mem>>
      %dma_wait3A_377 = arith.constant 0 : i32
      %dma_wait3A_378 = arith.constant 0 : i32
      %dma_wait3A_379 = tpu.memref_slice %arg7[%dma_wait3A_377, %dma_wait3A_378] : memref<768x128xf32, #tpu.memory_space<vmem>> -> memref<32x128xf32, #tpu.memory_space<vmem>>
      %dma_wait3A_380 = arith.constant 0 : i32
      %dma_wait3A_381 = arith.constant 0 : i32
      %dma_wait3A_382 = tpu.memref_slice %arg3[%dma_wait3A_380, %dma_wait3A_381] : memref<32x1000000xf32, #tpu.memory_space<hbm>> -> memref<32x128xf32, #tpu.memory_space<hbm>>
      tpu.wait_dma2 semaphore(%dma_wait3A_376 : memref<!tpu.dma_semaphore, #tpu.memory_space<semaphore_mem>>) src(%dma_wait3A_382 : memref<32x128xf32, #tpu.memory_space<hbm>>) dst(%dma_wait3A_379 : memref<32x128xf32, #tpu.memory_space<vmem>>)
      %dma_wait3A_383 = arith.constant 0 : i32
      %dma_wait3A_384 = arith.constant 0 : i32
      %dma_wait3A_385 = tpu.memref_slice %arg7[%dma_wait3A_383, %dma_wait3A_384] : memref<768x128xf32, #tpu.memory_space<vmem>> -> memref<32x128xf32, #tpu.memory_space<vmem>>
      %dma_wait3A_386 = arith.constant 0 : i32
      %dma_wait3A_387 = arith.constant 0 : i32
      %dma_wait3A_388 = tpu.memref_slice %arg3[%dma_wait3A_386, %dma_wait3A_387] : memref<32x1000000xf32, #tpu.memory_space<hbm>> -> memref<32x128xf32, #tpu.memory_space<hbm>>
      %dma_wait3A_389 = tpu.memref_slice %arg9[%and3A_257] : memref<2x!tpu.dma_semaphore, #tpu.memory_space<semaphore_mem>> -> memref<1x!tpu.dma_semaphore, #tpu.memory_space<semaphore_mem>>
      %dma_wait3A_390 = tpu.memref_squeeze %dma_wait3A_389 : memref<1x!tpu.dma_semaphore, #tpu.memory_space<semaphore_mem>> -> memref<!tpu.dma_semaphore, #tpu.memory_space<semaphore_mem>>
      %dma_wait3A_391 = arith.constant 0 : i32
      %dma_wait3A_392 = arith.constant 0 : i32
      %dma_wait3A_393 = tpu.memref_slice %arg7[%dma_wait3A_391, %dma_wait3A_392] : memref<768x128xf32, #tpu.memory_space<vmem>> -> memref<32x128xf32, #tpu.memory_space<vmem>>
      %dma_wait3A_394 = arith.constant 0 : i32
      %dma_wait3A_395 = arith.constant 0 : i32
      %dma_wait3A_396 = tpu.memref_slice %arg3[%dma_wait3A_394, %dma_wait3A_395] : memref<32x1000000xf32, #tpu.memory_space<hbm>> -> memref<32x128xf32, #tpu.memory_space<hbm>>
      tpu.wait_dma2 semaphore(%dma_wait3A_390 : memref<!tpu.dma_semaphore, #tpu.memory_space<semaphore_mem>>) src(%dma_wait3A_396 : memref<32x128xf32, #tpu.memory_space<hbm>>) dst(%dma_wait3A_393 : memref<32x128xf32, #tpu.memory_space<vmem>>)
      %dma_wait3A_397 = arith.constant 0 : i32
      %dma_wait3A_398 = arith.constant 0 : i32
      %dma_wait3A_399 = tpu.memref_slice %arg7[%dma_wait3A_397, %dma_wait3A_398] : memref<768x128xf32, #tpu.memory_space<vmem>> -> memref<32x128xf32, #tpu.memory_space<vmem>>
      %dma_wait3A_400 = arith.constant 0 : i32
      %dma_wait3A_401 = arith.constant 0 : i32
      %dma_wait3A_402 = tpu.memref_slice %arg3[%dma_wait3A_400, %dma_wait3A_401] : memref<32x1000000xf32, #tpu.memory_space<hbm>> -> memref<32x128xf32, #tpu.memory_space<hbm>>
      %dma_wait3A_403 = tpu.memref_slice %arg9[%and3A_257] : memref<2x!tpu.dma_semaphore, #tpu.memory_space<semaphore_mem>> -> memref<1x!tpu.dma_semaphore, #tpu.memory_space<semaphore_mem>>
      %dma_wait3A_404 = tpu.memref_squeeze %dma_wait3A_403 : memref<1x!tpu.dma_semaphore, #tpu.memory_space<semaphore_mem>> -> memref<!tpu.dma_semaphore, #tpu.memory_space<semaphore_mem>>
      %dma_wait3A_405 = arith.constant 0 : i32
      %dma_wait3A_406 = arith.constant 0 : i32
      %dma_wait3A_407 = tpu.memref_slice %arg7[%dma_wait3A_405, %dma_wait3A_406] : memref<768x128xf32, #tpu.memory_space<vmem>> -> memref<32x128xf32, #tpu.memory_space<vmem>>
      %dma_wait3A_408 = arith.constant 0 : i32
      %dma_wait3A_409 = arith.constant 0 : i32
      %dma_wait3A_410 = tpu.memref_slice %arg3[%dma_wait3A_408, %dma_wait3A_409] : memref<32x1000000xf32, #tpu.memory_space<hbm>> -> memref<32x128xf32, #tpu.memory_space<hbm>>
      tpu.wait_dma2 semaphore(%dma_wait3A_404 : memref<!tpu.dma_semaphore, #tpu.memory_space<semaphore_mem>>) src(%dma_wait3A_410 : memref<32x128xf32, #tpu.memory_space<hbm>>) dst(%dma_wait3A_407 : memref<32x128xf32, #tpu.memory_space<vmem>>)
      %dma_wait3A_411 = arith.constant 0 : i32
      %dma_wait3A_412 = arith.constant 0 : i32
      %dma_wait3A_413 = tpu.memref_slice %arg7[%dma_wait3A_411, %dma_wait3A_412] : memref<768x128xf32, #tpu.memory_space<vmem>> -> memref<32x128xf32, #tpu.memory_space<vmem>>
      %dma_wait3A_414 = arith.constant 0 : i32
      %dma_wait3A_415 = arith.constant 0 : i32
      %dma_wait3A_416 = tpu.memref_slice %arg3[%dma_wait3A_414, %dma_wait3A_415] : memref<32x1000000xf32, #tpu.memory_space<hbm>> -> memref<32x128xf32, #tpu.memory_space<hbm>>
      %dma_wait3A_417 = tpu.memref_slice %arg9[%and3A_257] : memref<2x!tpu.dma_semaphore, #tpu.memory_space<semaphore_mem>> -> memref<1x!tpu.dma_semaphore, #tpu.memory_space<semaphore_mem>>
      %dma_wait3A_418 = tpu.memref_squeeze %dma_wait3A_417 : memref<1x!tpu.dma_semaphore, #tpu.memory_space<semaphore_mem>> -> memref<!tpu.dma_semaphore, #tpu.memory_space<semaphore_mem>>
      %dma_wait3A_419 = arith.constant 0 : i32
      %dma_wait3A_420 = arith.constant 0 : i32
      %dma_wait3A_421 = tpu.memref_slice %arg7[%dma_wait3A_419, %dma_wait3A_420] : memref<768x128xf32, #tpu.memory_space<vmem>> -> memref<32x128xf32, #tpu.memory_space<vmem>>
      %dma_wait3A_422 = arith.constant 0 : i32
      %dma_wait3A_423 = arith.constant 0 : i32
      %dma_wait3A_424 = tpu.memref_slice %arg3[%dma_wait3A_422, %dma_wait3A_423] : memref<32x1000000xf32, #tpu.memory_space<hbm>> -> memref<32x128xf32, #tpu.memory_space<hbm>>
      tpu.wait_dma2 semaphore(%dma_wait3A_418 : memref<!tpu.dma_semaphore, #tpu.memory_space<semaphore_mem>>) src(%dma_wait3A_424 : memref<32x128xf32, #tpu.memory_space<hbm>>) dst(%dma_wait3A_421 : memref<32x128xf32, #tpu.memory_space<vmem>>)
      %mul3A_425 = arith.constant 12 : i32
      %mul3A_426 = arith.muli %scan3A_251, %mul3A_425 : i32
      %add3A_427 = vector.broadcast %mul3A_426 : i32 to vector<16xi32>
      %add3A_428 = arith.addi %add3A_427, %iota3A : vector<16xi32>
      %min3A_429 = arith.constant 3071 : i32
      %min3A_430 = vector.broadcast %min3A_429 : i32 to vector<16xi32>
      %min3A_431 = arith.minsi %add3A_428, %min3A_430 : vector<16xi32>
      %gather3A_432 = tpu.vector_load_idx %arg6[%min3A_431] : memref<3072xi32, #tpu.memory_space<vmem>>[vector<16xi32>], vector<16xi32>,
      %and3A_433 = arith.constant 1 : i32
      %and3A_434 = arith.andi %scan3A_251, %and3A_433 : i32
      %mul3A_435 = arith.constant 12 : i32
      %mul3A_436 = arith.muli %and3A_434, %mul3A_435 : i32
      %add3A_437 = arith.constant 0 : i32
      %add3A_438 = arith.addi %mul3A_436, %add3A_437 : i32
      %mul3A_439 = arith.constant 32 : i32
      %mul3A_440 = arith.muli %add3A_438, %mul3A_439 : i32
      %broadcast_in_dim3A_441 = arith.constant 0 : i32
      %broadcast_in_dim3A_442 = vector.broadcast %broadcast_in_dim3A_441 : i32 to vector<16xi32>
      %slice3A_443 = vector.extract_strided_slice %gather3A_432 {offsets = [0], sizes = [1], strides = [1]} : vector<16xi32> to vector<1xi32>
      %squeeze3A_444 = vector.extract %slice3A_443[0] : i32 from vector<1xi32>
      %and3A_445 = arith.constant 127 : i32
      %and3A_446 = arith.andi %squeeze3A_444, %and3A_445 : i32
      %add3A_447 = vector.broadcast %and3A_446 : i32 to vector<16xi32>
      %add3A_448 = arith.addi %broadcast_in_dim3A_442, %add3A_447 : vector<16xi32>
      %broadcast_in_dim3A_449 = arith.constant 0 : i32
      %broadcast_in_dim3A_450 = vector.broadcast %broadcast_in_dim3A_449 : i32 to vector<16xi32>
      %slice3A_451 = vector.extract_strided_slice %gather3A_432 {offsets = [1], sizes = [1], strides = [1]} : vector<16xi32> to vector<1xi32>
      %squeeze3A_452 = vector.extract %slice3A_451[0] : i32 from vector<1xi32>
      %and3A_453 = arith.constant 127 : i32
      %and3A_454 = arith.andi %squeeze3A_452, %and3A_453 : i32
      %add3A_455 = vector.broadcast %and3A_454 : i32 to vector<16xi32>
      %add3A_456 = arith.addi %broadcast_in_dim3A_450, %add3A_455 : vector<16xi32>
      %broadcast_in_dim3A_457 = arith.constant 0 : i32
      %broadcast_in_dim3A_458 = vector.broadcast %broadcast_in_dim3A_457 : i32 to vector<16xi32>
      %slice3A_459 = vector.extract_strided_slice %gather3A_432 {offsets = [2], sizes = [1], strides = [1]} : vector<16xi32> to vector<1xi32>
      %squeeze3A_460 = vector.extract %slice3A_459[0] : i32 from vector<1xi32>
      %and3A_461 = arith.constant 127 : i32
      %and3A_462 = arith.andi %squeeze3A_460, %and3A_461 : i32
      %add3A_463 = vector.broadcast %and3A_462 : i32 to vector<16xi32>
      %add3A_464 = arith.addi %broadcast_in_dim3A_458, %add3A_463 : vector<16xi32>
      %broadcast_in_dim3A_465 = arith.constant 0.000000e+00 : f32
      %broadcast_in_dim3A_466 = vector.broadcast %broadcast_in_dim3A_465 : f32 to vector<16xf32>
      %add3A_467 = arith.constant 0 : i32
      %add3A_468 = arith.addi %mul3A_440, %add3A_467 : i32
      %add3A_469 = vector.broadcast %add3A_468 : i32 to vector<16xi32>
      %add3A_470 = arith.addi %add3A_469, %iota3A : vector<16xi32>
      %gather3A_471 = tpu.vector_load_idx %arg7[%add3A_470, %add3A_448] : memref<768x128xf32, #tpu.memory_space<vmem>>[vector<16xi32>, vector<16xi32>], vector<16xf32>,
      %add3A_472 = arith.constant 32 : i32
      %add3A_473 = vector.broadcast %add3A_472 : i32 to vector<16xi32>
      %add3A_474 = arith.addi %add3A_470, %add3A_473 : vector<16xi32>
      %gather3A_475 = tpu.vector_load_idx %arg7[%add3A_474, %add3A_456] : memref<768x128xf32, #tpu.memory_space<vmem>>[vector<16xi32>, vector<16xi32>], vector<16xf32>,
      %add3A_476 = arith.constant 64 : i32
      %add3A_477 = vector.broadcast %add3A_476 : i32 to vector<16xi32>
      %add3A_478 = arith.addi %add3A_470, %add3A_477 : vector<16xi32>
      %gather3A_479 = tpu.vector_load_idx %arg7[%add3A_478, %add3A_464] : memref<768x128xf32, #tpu.memory_space<vmem>>[vector<16xi32>, vector<16xi32>], vector<16xf32>,
      %add3A_480 = arith.addf %gather3A_471, %gather3A_475 : vector<16xf32>
      %sub3A = arith.subf %add3A_480, %gather3A_479 : vector<16xf32>
      %mul3A_481 = arith.mulf %sub3A, %sub3A : vector<16xf32>
      %add3A_482 = arith.addf %broadcast_in_dim3A_466, %mul3A_481 : vector<16xf32>
      %add3A_483 = arith.constant 16 : i32
      %add3A_484 = arith.addi %mul3A_440, %add3A_483 : i32
      %add3A_485 = vector.broadcast %add3A_484 : i32 to vector<16xi32>
      %add3A_486 = arith.addi %add3A_485, %iota3A : vector<16xi32>
      %gather3A_487 = tpu.vector_load_idx %arg7[%add3A_486, %add3A_448] : memref<768x128xf32, #tpu.memory_space<vmem>>[vector<16xi32>, vector<16xi32>], vector<16xf32>,
      %add3A_488 = arith.constant 32 : i32
      %add3A_489 = vector.broadcast %add3A_488 : i32 to vector<16xi32>
      %add3A_490 = arith.addi %add3A_486, %add3A_489 : vector<16xi32>
      %gather3A_491 = tpu.vector_load_idx %arg7[%add3A_490, %add3A_456] : memref<768x128xf32, #tpu.memory_space<vmem>>[vector<16xi32>, vector<16xi32>], vector<16xf32>,
      %add3A_492 = arith.constant 64 : i32
      %add3A_493 = vector.broadcast %add3A_492 : i32 to vector<16xi32>
      %add3A_494 = arith.addi %add3A_486, %add3A_493 : vector<16xi32>
      %gather3A_495 = tpu.vector_load_idx %arg7[%add3A_494, %add3A_464] : memref<768x128xf32, #tpu.memory_space<vmem>>[vector<16xi32>, vector<16xi32>], vector<16xf32>,
      %add3A_496 = arith.addf %gather3A_487, %gather3A_491 : vector<16xf32>
      %sub3A_497 = arith.subf %add3A_496, %gather3A_495 : vector<16xf32>
      %mul3A_498 = arith.mulf %sub3A_497, %sub3A_497 : vector<16xf32>
      %add3A_499 = arith.addf %add3A_482, %mul3A_498 : vector<16xf32>
      %reduce_sum3A = arith.constant true
      %reduce_sum3A_500 = vector.broadcast %reduce_sum3A : i1 to vector<16xi1>
      %reduce_sum3A_501 = tpu.scan <sum>, %add3A_499 masked %reduce_sum3A_500 : vector<16xf32>, vector<16xi1> -> vector<16xf32>
      %reduce_sum3A_502 = vector.extract %reduce_sum3A_501[15] : f32 from vector<16xf32>
      %mul3A_503 = arith.constant 4 : i32
      %mul3A_504 = arith.muli %scan3A_251, %mul3A_503 : i32
      %add3A_505 = arith.constant 0 : i32
      %add3A_506 = arith.addi %mul3A_504, %add3A_505 : i32
      %and3A_507 = arith.constant 15 : i32
      %and3A_508 = arith.andi %add3A_506, %and3A_507 : i32
      %eq3A = vector.broadcast %and3A_508 : i32 to vector<16xi32>
      %eq3A_509 = arith.cmpi eq, %iota3A, %eq3A : vector<16xi32>
      %broadcast_in_dim3A_510 = vector.broadcast %reduce_sum3A_502 : f32 to vector<16xf32>
      %select_n3A = arith.select %eq3A_509, %broadcast_in_dim3A_510, %scan3A_252 : vector<16xi1>, vector<16xf32>
      %mul3A_511 = arith.constant 12 : i32
      %mul3A_512 = arith.muli %and3A_434, %mul3A_511 : i32
      %add3A_513 = arith.constant 3 : i32
      %add3A_514 = arith.addi %mul3A_512, %add3A_513 : i32
      %mul3A_515 = arith.constant 32 : i32
      %mul3A_516 = arith.muli %add3A_514, %mul3A_515 : i32
      %broadcast_in_dim3A_517 = arith.constant 0 : i32
      %broadcast_in_dim3A_518 = vector.broadcast %broadcast_in_dim3A_517 : i32 to vector<16xi32>
      %slice3A_519 = vector.extract_strided_slice %gather3A_432 {offsets = [3], sizes = [1], strides = [1]} : vector<16xi32> to vector<1xi32>
      %squeeze3A_520 = vector.extract %slice3A_519[0] : i32 from vector<1xi32>
      %and3A_521 = arith.constant 127 : i32
      %and3A_522 = arith.andi %squeeze3A_520, %and3A_521 : i32
      %add3A_523 = vector.broadcast %and3A_522 : i32 to vector<16xi32>
      %add3A_524 = arith.addi %broadcast_in_dim3A_518, %add3A_523 : vector<16xi32>
      %broadcast_in_dim3A_525 = arith.constant 0 : i32
      %broadcast_in_dim3A_526 = vector.broadcast %broadcast_in_dim3A_525 : i32 to vector<16xi32>
      %slice3A_527 = vector.extract_strided_slice %gather3A_432 {offsets = [4], sizes = [1], strides = [1]} : vector<16xi32> to vector<1xi32>
      %squeeze3A_528 = vector.extract %slice3A_527[0] : i32 from vector<1xi32>
      %and3A_529 = arith.constant 127 : i32
      %and3A_530 = arith.andi %squeeze3A_528, %and3A_529 : i32
      %add3A_531 = vector.broadcast %and3A_530 : i32 to vector<16xi32>
      %add3A_532 = arith.addi %broadcast_in_dim3A_526, %add3A_531 : vector<16xi32>
      %broadcast_in_dim3A_533 = arith.constant 0 : i32
      %broadcast_in_dim3A_534 = vector.broadcast %broadcast_in_dim3A_533 : i32 to vector<16xi32>
      %slice3A_535 = vector.extract_strided_slice %gather3A_432 {offsets = [5], sizes = [1], strides = [1]} : vector<16xi32> to vector<1xi32>
      %squeeze3A_536 = vector.extract %slice3A_535[0] : i32 from vector<1xi32>
      %and3A_537 = arith.constant 127 : i32
      %and3A_538 = arith.andi %squeeze3A_536, %and3A_537 : i32
      %add3A_539 = vector.broadcast %and3A_538 : i32 to vector<16xi32>
      %add3A_540 = arith.addi %broadcast_in_dim3A_534, %add3A_539 : vector<16xi32>
      %broadcast_in_dim3A_541 = arith.constant 0.000000e+00 : f32
      %broadcast_in_dim3A_542 = vector.broadcast %broadcast_in_dim3A_541 : f32 to vector<16xf32>
      %add3A_543 = arith.constant 0 : i32
      %add3A_544 = arith.addi %mul3A_516, %add3A_543 : i32
      %add3A_545 = vector.broadcast %add3A_544 : i32 to vector<16xi32>
      %add3A_546 = arith.addi %add3A_545, %iota3A : vector<16xi32>
      %gather3A_547 = tpu.vector_load_idx %arg7[%add3A_546, %add3A_524] : memref<768x128xf32, #tpu.memory_space<vmem>>[vector<16xi32>, vector<16xi32>], vector<16xf32>,
      %add3A_548 = arith.constant 32 : i32
      %add3A_549 = vector.broadcast %add3A_548 : i32 to vector<16xi32>
      %add3A_550 = arith.addi %add3A_546, %add3A_549 : vector<16xi32>
      %gather3A_551 = tpu.vector_load_idx %arg7[%add3A_550, %add3A_532] : memref<768x128xf32, #tpu.memory_space<vmem>>[vector<16xi32>, vector<16xi32>], vector<16xf32>,
      %add3A_552 = arith.constant 64 : i32
      %add3A_553 = vector.broadcast %add3A_552 : i32 to vector<16xi32>
      %add3A_554 = arith.addi %add3A_546, %add3A_553 : vector<16xi32>
      %gather3A_555 = tpu.vector_load_idx %arg7[%add3A_554, %add3A_540] : memref<768x128xf32, #tpu.memory_space<vmem>>[vector<16xi32>, vector<16xi32>], vector<16xf32>,
      %add3A_556 = arith.addf %gather3A_547, %gather3A_551 : vector<16xf32>
      %sub3A_557 = arith.subf %add3A_556, %gather3A_555 : vector<16xf32>
      %mul3A_558 = arith.mulf %sub3A_557, %sub3A_557 : vector<16xf32>
      %add3A_559 = arith.addf %broadcast_in_dim3A_542, %mul3A_558 : vector<16xf32>
      %add3A_560 = arith.constant 16 : i32
      %add3A_561 = arith.addi %mul3A_516, %add3A_560 : i32
      %add3A_562 = vector.broadcast %add3A_561 : i32 to vector<16xi32>
      %add3A_563 = arith.addi %add3A_562, %iota3A : vector<16xi32>
      %gather3A_564 = tpu.vector_load_idx %arg7[%add3A_563, %add3A_524] : memref<768x128xf32, #tpu.memory_space<vmem>>[vector<16xi32>, vector<16xi32>], vector<16xf32>,
      %add3A_565 = arith.constant 32 : i32
      %add3A_566 = vector.broadcast %add3A_565 : i32 to vector<16xi32>
      %add3A_567 = arith.addi %add3A_563, %add3A_566 : vector<16xi32>
      %gather3A_568 = tpu.vector_load_idx %arg7[%add3A_567, %add3A_532] : memref<768x128xf32, #tpu.memory_space<vmem>>[vector<16xi32>, vector<16xi32>], vector<16xf32>,
      %add3A_569 = arith.constant 64 : i32
      %add3A_570 = vector.broadcast %add3A_569 : i32 to vector<16xi32>
      %add3A_571 = arith.addi %add3A_563, %add3A_570 : vector<16xi32>
      %gather3A_572 = tpu.vector_load_idx %arg7[%add3A_571, %add3A_540] : memref<768x128xf32, #tpu.memory_space<vmem>>[vector<16xi32>, vector<16xi32>], vector<16xf32>,
      %add3A_573 = arith.addf %gather3A_564, %gather3A_568 : vector<16xf32>
      %sub3A_574 = arith.subf %add3A_573, %gather3A_572 : vector<16xf32>
      %mul3A_575 = arith.mulf %sub3A_574, %sub3A_574 : vector<16xf32>
      %add3A_576 = arith.addf %add3A_559, %mul3A_575 : vector<16xf32>
      %reduce_sum3A_577 = arith.constant true
      %reduce_sum3A_578 = vector.broadcast %reduce_sum3A_577 : i1 to vector<16xi1>
      %reduce_sum3A_579 = tpu.scan <sum>, %add3A_576 masked %reduce_sum3A_578 : vector<16xf32>, vector<16xi1> -> vector<16xf32>
      %reduce_sum3A_580 = vector.extract %reduce_sum3A_579[15] : f32 from vector<16xf32>
      %mul3A_581 = arith.constant 4 : i32
      %mul3A_582 = arith.muli %scan3A_251, %mul3A_581 : i32
      %add3A_583 = arith.constant 1 : i32
      %add3A_584 = arith.addi %mul3A_582, %add3A_583 : i32
      %and3A_585 = arith.constant 15 : i32
      %and3A_586 = arith.andi %add3A_584, %and3A_585 : i32
      %eq3A_587 = vector.broadcast %and3A_586 : i32 to vector<16xi32>
      %eq3A_588 = arith.cmpi eq, %iota3A, %eq3A_587 : vector<16xi32>
      %broadcast_in_dim3A_589 = vector.broadcast %reduce_sum3A_580 : f32 to vector<16xf32>
      %select_n3A_590 = arith.select %eq3A_588, %broadcast_in_dim3A_589, %select_n3A : vector<16xi1>, vector<16xf32>
      %mul3A_591 = arith.constant 12 : i32
      %mul3A_592 = arith.muli %and3A_434, %mul3A_591 : i32
      %add3A_593 = arith.constant 6 : i32
      %add3A_594 = arith.addi %mul3A_592, %add3A_593 : i32
      %mul3A_595 = arith.constant 32 : i32
      %mul3A_596 = arith.muli %add3A_594, %mul3A_595 : i32
      %broadcast_in_dim3A_597 = arith.constant 0 : i32
      %broadcast_in_dim3A_598 = vector.broadcast %broadcast_in_dim3A_597 : i32 to vector<16xi32>
      %slice3A_599 = vector.extract_strided_slice %gather3A_432 {offsets = [6], sizes = [1], strides = [1]} : vector<16xi32> to vector<1xi32>
      %squeeze3A_600 = vector.extract %slice3A_599[0] : i32 from vector<1xi32>
      %and3A_601 = arith.constant 127 : i32
      %and3A_602 = arith.andi %squeeze3A_600, %and3A_601 : i32
      %add3A_603 = vector.broadcast %and3A_602 : i32 to vector<16xi32>
      %add3A_604 = arith.addi %broadcast_in_dim3A_598, %add3A_603 : vector<16xi32>
      %broadcast_in_dim3A_605 = arith.constant 0 : i32
      %broadcast_in_dim3A_606 = vector.broadcast %broadcast_in_dim3A_605 : i32 to vector<16xi32>
      %slice3A_607 = vector.extract_strided_slice %gather3A_432 {offsets = [7], sizes = [1], strides = [1]} : vector<16xi32> to vector<1xi32>
      %squeeze3A_608 = vector.extract %slice3A_607[0] : i32 from vector<1xi32>
      %and3A_609 = arith.constant 127 : i32
      %and3A_610 = arith.andi %squeeze3A_608, %and3A_609 : i32
      %add3A_611 = vector.broadcast %and3A_610 : i32 to vector<16xi32>
      %add3A_612 = arith.addi %broadcast_in_dim3A_606, %add3A_611 : vector<16xi32>
      %broadcast_in_dim3A_613 = arith.constant 0 : i32
      %broadcast_in_dim3A_614 = vector.broadcast %broadcast_in_dim3A_613 : i32 to vector<16xi32>
      %slice3A_615 = vector.extract_strided_slice %gather3A_432 {offsets = [8], sizes = [1], strides = [1]} : vector<16xi32> to vector<1xi32>
      %squeeze3A_616 = vector.extract %slice3A_615[0] : i32 from vector<1xi32>
      %and3A_617 = arith.constant 127 : i32
      %and3A_618 = arith.andi %squeeze3A_616, %and3A_617 : i32
      %add3A_619 = vector.broadcast %and3A_618 : i32 to vector<16xi32>
      %add3A_620 = arith.addi %broadcast_in_dim3A_614, %add3A_619 : vector<16xi32>
      %broadcast_in_dim3A_621 = arith.constant 0.000000e+00 : f32
      %broadcast_in_dim3A_622 = vector.broadcast %broadcast_in_dim3A_621 : f32 to vector<16xf32>
      %add3A_623 = arith.constant 0 : i32
      %add3A_624 = arith.addi %mul3A_596, %add3A_623 : i32
      %add3A_625 = vector.broadcast %add3A_624 : i32 to vector<16xi32>
      %add3A_626 = arith.addi %add3A_625, %iota3A : vector<16xi32>
      %gather3A_627 = tpu.vector_load_idx %arg7[%add3A_626, %add3A_604] : memref<768x128xf32, #tpu.memory_space<vmem>>[vector<16xi32>, vector<16xi32>], vector<16xf32>,
      %add3A_628 = arith.constant 32 : i32
      %add3A_629 = vector.broadcast %add3A_628 : i32 to vector<16xi32>
      %add3A_630 = arith.addi %add3A_626, %add3A_629 : vector<16xi32>
      %gather3A_631 = tpu.vector_load_idx %arg7[%add3A_630, %add3A_612] : memref<768x128xf32, #tpu.memory_space<vmem>>[vector<16xi32>, vector<16xi32>], vector<16xf32>,
      %add3A_632 = arith.constant 64 : i32
      %add3A_633 = vector.broadcast %add3A_632 : i32 to vector<16xi32>
      %add3A_634 = arith.addi %add3A_626, %add3A_633 : vector<16xi32>
      %gather3A_635 = tpu.vector_load_idx %arg7[%add3A_634, %add3A_620] : memref<768x128xf32, #tpu.memory_space<vmem>>[vector<16xi32>, vector<16xi32>], vector<16xf32>,
      %add3A_636 = arith.addf %gather3A_627, %gather3A_631 : vector<16xf32>
      %sub3A_637 = arith.subf %add3A_636, %gather3A_635 : vector<16xf32>
      %mul3A_638 = arith.mulf %sub3A_637, %sub3A_637 : vector<16xf32>
      %add3A_639 = arith.addf %broadcast_in_dim3A_622, %mul3A_638 : vector<16xf32>
      %add3A_640 = arith.constant 16 : i32
      %add3A_641 = arith.addi %mul3A_596, %add3A_640 : i32
      %add3A_642 = vector.broadcast %add3A_641 : i32 to vector<16xi32>
      %add3A_643 = arith.addi %add3A_642, %iota3A : vector<16xi32>
      %gather3A_644 = tpu.vector_load_idx %arg7[%add3A_643, %add3A_604] : memref<768x128xf32, #tpu.memory_space<vmem>>[vector<16xi32>, vector<16xi32>], vector<16xf32>,
      %add3A_645 = arith.constant 32 : i32
      %add3A_646 = vector.broadcast %add3A_645 : i32 to vector<16xi32>
      %add3A_647 = arith.addi %add3A_643, %add3A_646 : vector<16xi32>
      %gather3A_648 = tpu.vector_load_idx %arg7[%add3A_647, %add3A_612] : memref<768x128xf32, #tpu.memory_space<vmem>>[vector<16xi32>, vector<16xi32>], vector<16xf32>,
      %add3A_649 = arith.constant 64 : i32
      %add3A_650 = vector.broadcast %add3A_649 : i32 to vector<16xi32>
      %add3A_651 = arith.addi %add3A_643, %add3A_650 : vector<16xi32>
      %gather3A_652 = tpu.vector_load_idx %arg7[%add3A_651, %add3A_620] : memref<768x128xf32, #tpu.memory_space<vmem>>[vector<16xi32>, vector<16xi32>], vector<16xf32>,
      %add3A_653 = arith.addf %gather3A_644, %gather3A_648 : vector<16xf32>
      %sub3A_654 = arith.subf %add3A_653, %gather3A_652 : vector<16xf32>
      %mul3A_655 = arith.mulf %sub3A_654, %sub3A_654 : vector<16xf32>
      %add3A_656 = arith.addf %add3A_639, %mul3A_655 : vector<16xf32>
      %reduce_sum3A_657 = arith.constant true
      %reduce_sum3A_658 = vector.broadcast %reduce_sum3A_657 : i1 to vector<16xi1>
      %reduce_sum3A_659 = tpu.scan <sum>, %add3A_656 masked %reduce_sum3A_658 : vector<16xf32>, vector<16xi1> -> vector<16xf32>
      %reduce_sum3A_660 = vector.extract %reduce_sum3A_659[15] : f32 from vector<16xf32>
      %mul3A_661 = arith.constant 4 : i32
      %mul3A_662 = arith.muli %scan3A_251, %mul3A_661 : i32
      %add3A_663 = arith.constant 2 : i32
      %add3A_664 = arith.addi %mul3A_662, %add3A_663 : i32
      %and3A_665 = arith.constant 15 : i32
      %and3A_666 = arith.andi %add3A_664, %and3A_665 : i32
      %eq3A_667 = vector.broadcast %and3A_666 : i32 to vector<16xi32>
      %eq3A_668 = arith.cmpi eq, %iota3A, %eq3A_667 : vector<16xi32>
      %broadcast_in_dim3A_669 = vector.broadcast %reduce_sum3A_660 : f32 to vector<16xf32>
      %select_n3A_670 = arith.select %eq3A_668, %broadcast_in_dim3A_669, %select_n3A_590 : vector<16xi1>, vector<16xf32>
      %mul3A_671 = arith.constant 12 : i32
      %mul3A_672 = arith.muli %and3A_434, %mul3A_671 : i32
      %add3A_673 = arith.constant 9 : i32
      %add3A_674 = arith.addi %mul3A_672, %add3A_673 : i32
      %mul3A_675 = arith.constant 32 : i32
      %mul3A_676 = arith.muli %add3A_674, %mul3A_675 : i32
      %broadcast_in_dim3A_677 = arith.constant 0 : i32
      %broadcast_in_dim3A_678 = vector.broadcast %broadcast_in_dim3A_677 : i32 to vector<16xi32>
      %slice3A_679 = vector.extract_strided_slice %gather3A_432 {offsets = [9], sizes = [1], strides = [1]} : vector<16xi32> to vector<1xi32>
      %squeeze3A_680 = vector.extract %slice3A_679[0] : i32 from vector<1xi32>
      %and3A_681 = arith.constant 127 : i32
      %and3A_682 = arith.andi %squeeze3A_680, %and3A_681 : i32
      %add3A_683 = vector.broadcast %and3A_682 : i32 to vector<16xi32>
      %add3A_684 = arith.addi %broadcast_in_dim3A_678, %add3A_683 : vector<16xi32>
      %broadcast_in_dim3A_685 = arith.constant 0 : i32
      %broadcast_in_dim3A_686 = vector.broadcast %broadcast_in_dim3A_685 : i32 to vector<16xi32>
      %slice3A_687 = vector.extract_strided_slice %gather3A_432 {offsets = [10], sizes = [1], strides = [1]} : vector<16xi32> to vector<1xi32>
      %squeeze3A_688 = vector.extract %slice3A_687[0] : i32 from vector<1xi32>
      %and3A_689 = arith.constant 127 : i32
      %and3A_690 = arith.andi %squeeze3A_688, %and3A_689 : i32
      %add3A_691 = vector.broadcast %and3A_690 : i32 to vector<16xi32>
      %add3A_692 = arith.addi %broadcast_in_dim3A_686, %add3A_691 : vector<16xi32>
      %broadcast_in_dim3A_693 = arith.constant 0 : i32
      %broadcast_in_dim3A_694 = vector.broadcast %broadcast_in_dim3A_693 : i32 to vector<16xi32>
      %slice3A_695 = vector.extract_strided_slice %gather3A_432 {offsets = [11], sizes = [1], strides = [1]} : vector<16xi32> to vector<1xi32>
      %squeeze3A_696 = vector.extract %slice3A_695[0] : i32 from vector<1xi32>
      %and3A_697 = arith.constant 127 : i32
      %and3A_698 = arith.andi %squeeze3A_696, %and3A_697 : i32
      %add3A_699 = vector.broadcast %and3A_698 : i32 to vector<16xi32>
      %add3A_700 = arith.addi %broadcast_in_dim3A_694, %add3A_699 : vector<16xi32>
      %broadcast_in_dim3A_701 = arith.constant 0.000000e+00 : f32
      %broadcast_in_dim3A_702 = vector.broadcast %broadcast_in_dim3A_701 : f32 to vector<16xf32>
      %add3A_703 = arith.constant 0 : i32
      %add3A_704 = arith.addi %mul3A_676, %add3A_703 : i32
      %add3A_705 = vector.broadcast %add3A_704 : i32 to vector<16xi32>
      %add3A_706 = arith.addi %add3A_705, %iota3A : vector<16xi32>
      %gather3A_707 = tpu.vector_load_idx %arg7[%add3A_706, %add3A_684] : memref<768x128xf32, #tpu.memory_space<vmem>>[vector<16xi32>, vector<16xi32>], vector<16xf32>,
      %add3A_708 = arith.constant 32 : i32
      %add3A_709 = vector.broadcast %add3A_708 : i32 to vector<16xi32>
      %add3A_710 = arith.addi %add3A_706, %add3A_709 : vector<16xi32>
      %gather3A_711 = tpu.vector_load_idx %arg7[%add3A_710, %add3A_692] : memref<768x128xf32, #tpu.memory_space<vmem>>[vector<16xi32>, vector<16xi32>], vector<16xf32>,
      %add3A_712 = arith.constant 64 : i32
      %add3A_713 = vector.broadcast %add3A_712 : i32 to vector<16xi32>
      %add3A_714 = arith.addi %add3A_706, %add3A_713 : vector<16xi32>
      %gather3A_715 = tpu.vector_load_idx %arg7[%add3A_714, %add3A_700] : memref<768x128xf32, #tpu.memory_space<vmem>>[vector<16xi32>, vector<16xi32>], vector<16xf32>,
      %add3A_716 = arith.addf %gather3A_707, %gather3A_711 : vector<16xf32>
      %sub3A_717 = arith.subf %add3A_716, %gather3A_715 : vector<16xf32>
      %mul3A_718 = arith.mulf %sub3A_717, %sub3A_717 : vector<16xf32>
      %add3A_719 = arith.addf %broadcast_in_dim3A_702, %mul3A_718 : vector<16xf32>
      %add3A_720 = arith.constant 16 : i32
      %add3A_721 = arith.addi %mul3A_676, %add3A_720 : i32
      %add3A_722 = vector.broadcast %add3A_721 : i32 to vector<16xi32>
      %add3A_723 = arith.addi %add3A_722, %iota3A : vector<16xi32>
      %gather3A_724 = tpu.vector_load_idx %arg7[%add3A_723, %add3A_684] : memref<768x128xf32, #tpu.memory_space<vmem>>[vector<16xi32>, vector<16xi32>], vector<16xf32>,
      %add3A_725 = arith.constant 32 : i32
      %add3A_726 = vector.broadcast %add3A_725 : i32 to vector<16xi32>
      %add3A_727 = arith.addi %add3A_723, %add3A_726 : vector<16xi32>
      %gather3A_728 = tpu.vector_load_idx %arg7[%add3A_727, %add3A_692] : memref<768x128xf32, #tpu.memory_space<vmem>>[vector<16xi32>, vector<16xi32>], vector<16xf32>,
      %add3A_729 = arith.constant 64 : i32
      %add3A_730 = vector.broadcast %add3A_729 : i32 to vector<16xi32>
      %add3A_731 = arith.addi %add3A_723, %add3A_730 : vector<16xi32>
      %gather3A_732 = tpu.vector_load_idx %arg7[%add3A_731, %add3A_700] : memref<768x128xf32, #tpu.memory_space<vmem>>[vector<16xi32>, vector<16xi32>], vector<16xf32>,
      %add3A_733 = arith.addf %gather3A_724, %gather3A_728 : vector<16xf32>
      %sub3A_734 = arith.subf %add3A_733, %gather3A_732 : vector<16xf32>
      %mul3A_735 = arith.mulf %sub3A_734, %sub3A_734 : vector<16xf32>
      %add3A_736 = arith.addf %add3A_719, %mul3A_735 : vector<16xf32>
      %reduce_sum3A_737 = arith.constant true
      %reduce_sum3A_738 = vector.broadcast %reduce_sum3A_737 : i1 to vector<16xi1>
      %reduce_sum3A_739 = tpu.scan <sum>, %add3A_736 masked %reduce_sum3A_738 : vector<16xf32>, vector<16xi1> -> vector<16xf32>
      %reduce_sum3A_740 = vector.extract %reduce_sum3A_739[15] : f32 from vector<16xf32>
      %mul3A_741 = arith.constant 4 : i32
      %mul3A_742 = arith.muli %scan3A_251, %mul3A_741 : i32
      %add3A_743 = arith.constant 3 : i32
      %add3A_744 = arith.addi %mul3A_742, %add3A_743 : i32
      %and3A_745 = arith.constant 15 : i32
      %and3A_746 = arith.andi %add3A_744, %and3A_745 : i32
      %eq3A_747 = vector.broadcast %and3A_746 : i32 to vector<16xi32>
      %eq3A_748 = arith.cmpi eq, %iota3A, %eq3A_747 : vector<16xi32>
      %broadcast_in_dim3A_749 = vector.broadcast %reduce_sum3A_740 : f32 to vector<16xf32>
      %select_n3A_750 = arith.select %eq3A_748, %broadcast_in_dim3A_749, %select_n3A_670 : vector<16xi1>, vector<16xf32>
      %and3A_751 = arith.constant 3 : i32
      %and3A_752 = arith.andi %scan3A_251, %and3A_751 : i32
      %eq3A_753 = arith.constant 3 : i32
      %eq3A_754 = arith.cmpi eq, %and3A_752, %eq3A_753 : i32
      %convert_element_type3A_755 = arith.extui %eq3A_754 : i1 to i32
      %cond3A_756 = arith.constant 0 : i32
      %cond3A_757 = arith.cmpi ne, %convert_element_type3A_755, %cond3A_756 : i32
      scf.if %cond3A_757 {
        %max3A = arith.constant 1.000000e-30 : f32
        %max3A_758 = vector.broadcast %max3A : f32 to vector<16xf32>
        %max3A_759 = arith.maximumf %select_n3A_750, %max3A_758 : vector<16xf32>
        %bitcast3A = vector.bitcast %max3A_759 : vector<16xf32> to vector<16xi32>
        %shift_right_logical3A_760 = arith.constant 1 : i32
        %shift_right_logical3A_761 = vector.broadcast %shift_right_logical3A_760 : i32 to vector<16xi32>
        %shift_right_logical3A_762 = arith.shrui %bitcast3A, %shift_right_logical3A_761 : vector<16xi32>
        %sub3A_763 = arith.constant 1597463007 : i32
        %sub3A_764 = vector.broadcast %sub3A_763 : i32 to vector<16xi32>
        %sub3A_765 = arith.subi %sub3A_764, %shift_right_logical3A_762 : vector<16xi32>
        %bitcast3A_766 = vector.bitcast %sub3A_765 : vector<16xi32> to vector<16xf32>
        %mul3A_767 = arith.constant 5.000000e-01 : f32
        %mul3A_768 = vector.broadcast %mul3A_767 : f32 to vector<16xf32>
        %mul3A_769 = arith.mulf %mul3A_768, %max3A_759 : vector<16xf32>
        %mul3A_770 = arith.mulf %mul3A_769, %bitcast3A_766 : vector<16xf32>
        %mul3A_771 = arith.mulf %mul3A_770, %bitcast3A_766 : vector<16xf32>
        %sub3A_772 = arith.constant 1.500000e+00 : f32
        %sub3A_773 = vector.broadcast %sub3A_772 : f32 to vector<16xf32>
        %sub3A_774 = arith.subf %sub3A_773, %mul3A_771 : vector<16xf32>
        %mul3A_775 = arith.mulf %bitcast3A_766, %sub3A_774 : vector<16xf32>
        %mul3A_776 = arith.constant 5.000000e-01 : f32
        %mul3A_777 = vector.broadcast %mul3A_776 : f32 to vector<16xf32>
        %mul3A_778 = arith.mulf %mul3A_777, %max3A_759 : vector<16xf32>
        %mul3A_779 = arith.mulf %mul3A_778, %mul3A_775 : vector<16xf32>
        %mul3A_780 = arith.mulf %mul3A_779, %mul3A_775 : vector<16xf32>
        %sub3A_781 = arith.constant 1.500000e+00 : f32
        %sub3A_782 = vector.broadcast %sub3A_781 : f32 to vector<16xf32>
        %sub3A_783 = arith.subf %sub3A_782, %mul3A_780 : vector<16xf32>
        %mul3A_784 = arith.mulf %mul3A_775, %sub3A_783 : vector<16xf32>
        %mul3A_785 = arith.constant 5.000000e-01 : f32
        %mul3A_786 = vector.broadcast %mul3A_785 : f32 to vector<16xf32>
        %mul3A_787 = arith.mulf %mul3A_786, %max3A_759 : vector<16xf32>
        %mul3A_788 = arith.mulf %mul3A_787, %mul3A_784 : vector<16xf32>
        %mul3A_789 = arith.mulf %mul3A_788, %mul3A_784 : vector<16xf32>
        %sub3A_790 = arith.constant 1.500000e+00 : f32
        %sub3A_791 = vector.broadcast %sub3A_790 : f32 to vector<16xf32>
        %sub3A_792 = arith.subf %sub3A_791, %mul3A_789 : vector<16xf32>
        %mul3A_793 = arith.mulf %mul3A_784, %sub3A_792 : vector<16xf32>
        %mul3A_794 = arith.mulf %max3A_759, %mul3A_793 : vector<16xf32>
        %shift_right_logical3A_795 = arith.constant 2 : i32
        %shift_right_logical3A_796 = arith.shrui %scan3A_251, %shift_right_logical3A_795 : i32
        %mul3A_797 = arith.constant 16 : i32
        %mul3A_798 = arith.muli %shift_right_logical3A_796, %mul3A_797 : i32
        %swap3A = arith.index_cast %mul3A_798 : i32 to index
        %swap3A_799 = tpu.vector_load %arg8[%swap3A] {strides = array<i32>} : memref<1024xf32, #tpu.memory_space<vmem>>, vector<16xf32>,
        tpu.vector_store %arg8[%swap3A], %mul3A_794 {strides = array<i32>} : memref<1024xf32, #tpu.memory_space<vmem>>, vector<16xf32>,
      } else {
      }
      scf.yield %select_n3A_750 : vector<16xf32>
    }
    %scan3A_250 = arith.constant 256 : i32
    "tpu.region"() ({
      %run_scoped3A = tpu.sem_alloc : memref<!tpu.dma_semaphore, #tpu.memory_space<semaphore_mem>>
      %dma_start3A_251 = tpu.memref_slice %arg5[%mul3A_2] : memref<32768xf32, #tpu.memory_space<hbm>> -> memref<1024xf32, #tpu.memory_space<hbm>>
      %dma_start3A_252 = tpu.memref_slice %arg5[%mul3A_2] : memref<32768xf32, #tpu.memory_space<hbm>> -> memref<1024xf32, #tpu.memory_space<hbm>>
      tpu.enqueue_dma source(%arg8 : memref<1024xf32, #tpu.memory_space<vmem>>) target(%dma_start3A_252 : memref<1024xf32, #tpu.memory_space<hbm>>) target_semaphore(%run_scoped3A : memref<!tpu.dma_semaphore, #tpu.memory_space<semaphore_mem>>)
      %dma_wait3A = tpu.memref_slice %arg5[%mul3A_2] : memref<32768xf32, #tpu.memory_space<hbm>> -> memref<1024xf32, #tpu.memory_space<hbm>>
      %dma_wait3A_253 = tpu.memref_slice %arg5[%mul3A_2] : memref<32768xf32, #tpu.memory_space<hbm>> -> memref<1024xf32, #tpu.memory_space<hbm>>
      tpu.wait_dma2 semaphore(%run_scoped3A : memref<!tpu.dma_semaphore, #tpu.memory_space<semaphore_mem>>) src(%arg8 : memref<1024xf32, #tpu.memory_space<vmem>>) dst(%dma_wait3A_253 : memref<1024xf32, #tpu.memory_space<hbm>>)
      tpu.yield
    }) : () -> ()
    return
  }
}

</mosaic_0001>

<sc_bundles>
// kernel: kernel.3.cloned.1.call-start
scs
__scs_entry_jumppad:
0x0: {  	(pc) =	sbr.rel $0x88, $3  }
0x1: {  	(tag) =	ssettag $0x0;
	lr =	simm.s32 $0x1  }
0x2: {  	[smem:$0x3F9D] =	sst lr;
	_ =	strace $0xD0000000  }
0x3: {  	_ = 	snop  }
0x4: {  	_ = 	snop  }
0x5: {  	_ = 	snop  }
0x6: {  	_ = 	snop  }
0x7: {  	_ = 	snop  }
__scs_overlays_trampoline_lowered:
0x8: {  	[smem:$0x3FAC] =	sst s0  }
0x9: {  	[smem:$0x3FAD] =	sst s1  }
0xa: {  	[smem:$0x3FAE] =	sst s2  }
0xb: {  	[smem:$0x3FAF] =	sst s3  }
0xc: {  	[smem:$0x3FB0] =	sst s4  }
0xd: {  	[smem:$0x3FB1] =	sst s5  }
0xe: {  	[smem:$0x3FB2] =	sst s6  }
0xf: {  	[smem:$0x3FB3] =	sst s7  }
0x10: {  	[smem:$0x3FB4] =	sst s8  }
0x11: {  	[smem:$0x3FB5] =	sst s9;
	s0 =	simm.s32 @!p0 $0x0  }
0x12: {  	s1 =	sld [smem:$0x3F9B];
	s0 =	simm.s32 @p0 $0x1  }
0x13: {  	[smem:$0x3FB6] =	sst s0;
	s0 =	simm.s32 @!p1 $0x0  }
0x14: {  	s2 =	sld [smem:$0x3F9A];
	s0 =	simm.s32 @p1 $0x1  }
0x15: {  	[smem:$0x3FB7] =	sst s0;
	s0 =	simm.s32 @!p2 $0x0  }
0x16: {  	s3 =	sld [smem:$0x3FDB];
	s0 =	simm.s32 @p2 $0x1  }
0x17: {  	s4 =	simm.s32 $0x1BF5;
	[smem:$0x3FB9] =	sst s0  }
0x18: {  	s0 =	sld [smem:$0x3F9C];
	_ =	swait.ge [sflag:s4], $0x0  }
0x19: {  	s7 =	sld [smem:$0x3F9D]  }
0x1a: {  	s8 =	sadd.s32 $0xFFFFE003, lr  }
0x1b: {  	s9 =	sadd.s32 $0xFFFFFEF7, lr;
	s5 =	simm.s32 $0xFFFFFFFF;
	p2 =	slt.u32 s8, $0xFFFFF086  }
0x1c: {  	p1 =	slt.u32 s9, $0xF7A;
	s5 =	simm.s32 @!p2 $0x0  }
0x1d: {  	s5 =	simm.s32 @p1 $0x1;
	p0 =	seq.s32 s7, s2  }
0x1e: {  	s7 =	smul.u32 @!p0 $0xF7A, s2;
	p2 =	seq.s32 @!p0 s5, $0x0  }
0x1f: {  	s9 =	smul.u32 $0xF7A, s1;
	s8 =	simm.s32 @!p0 $0x1BF5;
	p2 =	por !p2, p0  }
0x20: {  	[sflag:s8] =	ssyncset.s32 @!p0 $0xFFFFF086;
	s6 =	sadd.s32 @!p0 s3, s7;
	s7 =	simm.s32 @!p0 $0x108  }
0x21: {  	s3 =	sadd.s32 s3, s9;
	s6 =	sadd.s32 @!p0 $0x88, s6;
	s7 =	simm.s32 @p2 $0x1082  }
0x22: {  	[simem:s7], [sflag:s8] =	dma.local @!p0 [hbm:s6], $0xF7A  }
0x23: {  	s9 =	sor.u32 $0xD0000000, s2;
	s6 =	simm.s32 $0x108;
	_ =	swait.ge @!p0 [sflag:s8], $0x0  }
0x24: {  	s3 =	sadd.s32 $0x88, s3;
	s6 =	simm.s32 @!p1 $0x1082;
	[sflag:s4] =	ssyncset.s32 $0xFFFFF086  }
0x25: {  	[simem:s6], [sflag:s4] =	dma.local [hbm:s3], $0xF7A  }
0x26: {  	[smem:$0x3F9D] =	sst s1;
	(tag) =	ssettag s2;
	_ =	strace s9  }
0x27: {  	s1 =	sld [smem:$0x3FAD]  }
0x28: {  	s2 =	sld [smem:$0x3FAE]  }
0x29: {  	s4 =	sld [smem:$0x3FB0]  }
0x2a: {  	p0 =	seq.s32 s5, $0x0;
	s5 =	sld [smem:$0x3FB1]  }
0x2b: {  	s6 =	sld [smem:$0x3FB2]  }
0x2c: {  	s7 =	sld [smem:$0x3FB3]  }
0x2d: {  	s3 =	simm.s32 $0x108;
	s8 =	sld [smem:$0x3FB4]  }
0x2e: {  	s3 =	simm.s32 @!p0 $0x1082;
	s9 =	sld [smem:$0x3FB5]  }
0x2f: {  	lr =	sadd.s32 s0, s3;
	s0 =	sld [smem:$0x3FAC]  }
0x30: {  	s3 =	sld [smem:$0x3FAF]  }
0x31: {  	[smem:$0x3FB8] =	sst s10  }
0x32: {  	s10 =	sld [smem:$0x3FB6];
	_ =	sdelay $0x3  }
0x33: {  	p0 =	seq.s32 s10, $0x1;
	s10 =	sld [smem:$0x3FB8];
	_ =	sdelay $0x3  }
0x34: {  	[smem:$0x3FB8] =	sst s10  }
0x35: {  	s10 =	sld [smem:$0x3FB7];
	_ =	sdelay $0x3  }
0x36: {  	p1 =	seq.s32 s10, $0x1;
	s10 =	sld [smem:$0x3FB8];
	_ =	sdelay $0x3  }
0x37: {  	[smem:$0x3FB8] =	sst s10  }
0x38: {  	s10 =	sld [smem:$0x3FB9]  }
0x39: {  	_ = 	snop;
	(pc) =	sbr.ind lr, $3  }
0x3a: {  	_ = 	snop  }
0x3b: {  	_ = 	snop  }
0x3c: {  	p2 =	seq.s32 s10, $0x1;
	s10 =	sld [smem:$0x3FB8]  }
0x3d: {  	_ =	shalt  }
0x3e: {  	_ =	shalt  }
0x3f: {  	_ =	shalt  }
0x40: {  	_ =	shalt  }
0x41: {  	_ =	shalt  }
0x42: {  	_ =	shalt  }
0x43: {  	_ =	shalt  }
0x44: {  	_ =	shalt  }
0x45: {  	_ =	shalt  }
0x46: {  	_ =	shalt  }
0x47: {  	_ =	shalt  }
0x48: {  	_ =	shalt  }
0x49: {  	_ =	shalt  }
0x4a: {  	_ =	shalt  }
0x4b: {  	_ =	shalt  }
0x4c: {  	_ =	shalt  }
0x4d: {  	_ =	shalt  }
0x4e: {  	_ =	shalt  }
0x4f: {  	_ =	shalt  }
0x50: {  	_ =	shalt  }
0x51: {  	_ =	shalt  }
0x52: {  	_ =	shalt  }
0x53: {  	_ =	shalt  }
0x54: {  	_ =	shalt  }
0x55: {  	_ =	shalt  }
0x56: {  	_ =	shalt  }
0x57: {  	_ =	shalt  }
0x58: {  	_ =	shalt  }
0x59: {  	_ =	shalt  }
0x5a: {  	_ =	shalt  }
0x5b: {  	_ =	shalt  }
0x5c: {  	_ =	shalt  }
0x5d: {  	_ =	shalt  }
0x5e: {  	_ =	shalt  }
0x5f: {  	_ =	shalt  }
0x60: {  	_ =	shalt  }
0x61: {  	_ =	shalt  }
0x62: {  	_ =	shalt  }
0x63: {  	_ =	shalt  }
0x64: {  	_ =	shalt  }
0x65: {  	_ =	shalt  }
0x66: {  	_ =	shalt  }
0x67: {  	_ =	shalt  }
0x68: {  	_ =	shalt  }
0x69: {  	_ =	shalt  }
0x6a: {  	_ =	shalt  }
0x6b: {  	_ =	shalt  }
0x6c: {  	_ =	shalt  }
0x6d: {  	_ =	shalt  }
0x6e: {  	_ =	shalt  }
0x6f: {  	_ =	shalt  }
0x70: {  	_ =	shalt  }
0x71: {  	_ =	shalt  }
0x72: {  	_ =	shalt  }
0x73: {  	_ =	shalt  }
0x74: {  	_ =	shalt  }
0x75: {  	_ =	shalt  }
0x76: {  	_ =	shalt  }
0x77: {  	_ =	shalt  }
0x78: {  	_ =	shalt  }
0x79: {  	_ =	shalt  }
0x7a: {  	_ =	shalt  }
0x7b: {  	_ =	shalt  }
0x7c: {  	_ =	shalt  }
0x7d: {  	_ =	shalt  }
0x7e: {  	_ =	shalt  }
0x7f: {  	_ =	shalt  }
0x80: {  	_ =	shalt  }
0x81: {  	_ =	shalt  }
0x82: {  	_ =	shalt  }
0x83: {  	_ =	shalt  }
0x84: {  	_ =	shalt  }
0x85: {  	_ =	shalt  }
0x86: {  	_ =	shalt  }
0x87: {  	_ =	shalt  }
.Lfunc_end0:
.L_simem_size_0:
called_computation_lowered:
.L_overlay_start_0:
0x88: {  	s2 =	sld [smem:$0x3FD9]  }
0x89: {  	s3 =	sld [smem:$0x3FFE];
	_ =	sdelay $0x1  }
0x8a: {  	s1 =	srdreg.scid  }
0x8b: {  	s0 =	sand.u32 $0x1, s1  }
0x8c: {  	s17 =	sshll.u32 s0, $0xA;
	s2 =	sadd.s32 s3, s2  }
0x8d: {  	s2 =	sadd.s32 s2, s17  }
0x8e: {  	[smem:$0x3FC4] =	sst s2  }
0x8f: {  	_ = 	snop  }
0x90: {  	s2 =	sld [smem:$0x3FC7]  }
0x91: {  	s18 =	sld [smem:$0x3FC6];
	(tm) =	ssettm $0x1  }
0x92: {  	s4 =	sld [smem:$0x3FFB];
	_ =	sdelay $0x3  }
0x93: {  	_ =	strace s4  }
0x94: {  	s4 =	sld [smem:$0x3FFC];
	_ =	sdelay $0x3  }
0x95: {  	_ =	strace s4  }
0x96: {  	s4 =	sld [smem:$0x3FFD];
	_ =	sdelay $0x3  }
0x97: {  	_ =	strace s4  }
0x98: {  	_ =	strace $0x8FFFFFFF  }
0x99: {  	s19 =	sld [smem:$0x3FDB];
	_ =	sdelay $0x1  }
0x9a: {  	s5 =	simm.s32 $_scs_section_size  }
0x9b: {  	s6 =	simm.s32 $_size__tile_overlayer_lowered;
	s7 =	simm.s32 $_tile_overlayer_lowered  }
0x9c: {  	s22 =	simm.s32 $0x1BFF;
	s21 =	sshll.u32 s7, $0x1;
	s4 =	sadd.s32 s5, s19  }
0x9d: {  	s8 =	simm.s32 $0x0;
	s20 =	sshll.u32 s6, $0x1;
	s6 =	sadd.s32 s21, s4  }
0x9e: {  	[timem:s8], [sflag:s22] =	dma.local [hbm:s6], s20  }
0x9f: {  	_ =	swait.ge [sflag:s22], s20  }
0xa0: {  	s5 =	ssub.s32 $0x0, s20;
	[sflag:s22] =	ssyncset.done $0x0  }
0xa1: {  	[sflag:s22] =	ssyncadd.s32 s5;
	_ =	sdelay $0x1  }
0xa2: {  	s23 =	simm.s32 $0x1B8B  }
0xa3: {  	_ =	swait.ge [sflag:s23], $0x1  }
0xa4: {  	[sflag:s23] =	ssyncset.done $0x0  }
0xa5: {  	s25 =	simm.s32 $0x1B8E;
	s24 =	sld [smem:$0x3FFE];
	[sflag:s23] =	ssyncadd.s32 $0xFFFFFFFF  }
0xa6: {  	s26 =	simm.s32 $execute0_lowered;
	[smem:$0x3FD2] =	sst s25  }
0xa7: {  	s6 =	sshll.u32 s26, $0x1;
	_ =	strace $0x80000046;
	[dreg:$0x1] =	wrdreg $0xFFFFFFFF  }
0xa8: {  	s28 =	simm.s32 $_size_execute0_lowered;
	s4 =	sadd.s32 s4, s6;
	[dreg:$0x0] =	wrdreg $0x0  }
0xa9: {  	s6 =	sshll.u32 s28, $0x1;
	[dreg:$0x2] =	wrdreg s4  }
0xaa: {  	[dreg:$0x3] =	wrdreg s6  }
0xab: {  	[dreg:$0x4] =	wrdreg $0xC0  }
0xac: {  	_ =	task [dreg:s8], $0x5FFFF  }
0xad: {  	[dreg:$0x1] =	wrdreg $0xFFFFFFFF  }
0xae: {  	[dreg:$0x0] =	wrdreg $0x60  }
0xaf: {  	[dreg:$0x2] =	wrdreg s24  }
0xb0: {  	[dreg:$0x3] =	wrdreg s2  }
0xb1: {  	[dreg:$0x4] =	wrdreg s18  }
0xb2: {  	[dreg:$0x5] =	wrdreg $0x9  }
0xb3: {  	_ =	task.clear_ibuf [dreg:s8], $0x6FFFF;
	_ =	strace $0x90000046  }
0xb4: {  	s29 =	simm.s32 $0x9;
	_ =	strace $0x80000048  }
0xb5: {  	_ =	swait.ge [sflag:s29], $0x1  }
0xb6: {  	[sflag:s29] =	ssyncadd.s32 $0xFFFFFFFF  }
0xb7: {  	_ =	strace $0x90000048  }
0xb8: {  	_ =	sfence  }
0xb9: {  	s30 =	sld [smem:$0x0];
	_ =	sdelay $0x2  }
0xba: {  	s31 =	sshll.u32 s1, $0xD;
	s1 =	sshrl.u32 s1, $0x2  }
0xbb: {  	s3 =	sand.u32 $0x4000, s31;
	s1 =	sadd.s32 s1, s30  }
0xbc: {  	s0 =	sor.u32 s3, s0;
	s1 =	sshll.u32 s1, $0x11  }
0xbd: {  	s0 =	sor.u32 s1, s0  }
0xbe: {  	s0 =	sadd.s32 $0x8F2B, s0  }
0xbf: {  	[sflag:s0] =	ssyncadd.remote.s32 $0x1  }
0xc0: {  	_ =	sfence.sel $0xFFFF  }
0xc1: {  	[dreg:$0x0] =	wrdreg $0xFFFFFFFF;
	(pc) =	sbr.abs _section_cstart, $3  }
0xc2: {  	[dreg:$0x1] =	wrdreg $0xFFFFFFFF  }
0xc3: {  	_ =	task.clear_ibuf [dreg:s8], $0x2FFFF;
	_ =	strace $0x9FFFFFFF  }
0xc4: {  	(tm) =	ssettm $0x7FFFFFFF  }
0xc5: {  	_ =	shalt  }
tec
execute0_lowered:
.L_overlay_start_1:
0x0: {  	(tag) =	ssettag $0x1  }
0x1: {  	s5 =	rddreg [dreg:$0x0]  }
0x2: {  	s2 =	rddreg [dreg:$0x1];
	s1 =	srdreg.scid  }
0x3: {  	s0 =	stileid.u32;
	s3 =	rddreg [dreg:$0x2]  }
0x4: {  	s4 =	simm.s32 $0x0;
	s10 =	simm.s32 $0x7A1400;
	s11 =	simm.s32 $0xC00  }
0x5: {  	s13 =	simm.s32 $0x2C00;
	s14 =	simm.s32 $0x3C00;
	s15 =	simm.s32 $0x4C00  }
0x6: {  	s16 =	simm.s32 $0x5C00;
	s17 =	simm.s32 $0x6C00;
	s18 =	simm.s32 $0x7C00  }
0x7: {  	s19 =	simm.s32 $0x8C00;
	s20 =	simm.s32 $0x9C00;
	s21 =	simm.s32 $0xAC00  }
0x8: {  	s22 =	simm.s32 $0xBC00;
	s23 =	simm.s32 $0x18C00;
	s24 =	simm.s32 $0x0  }
0x9: {  	s6 =	sand.u32 $0x1, s1;
	s7 =	sshll.u32 s0, $0x1;
	[smem:$0x7FF] =	sst s4  }
.Ltmp0:
0xa: {  	s7 =	sor.u32 s6, s7;
	s6 =	ssub.s32 $0x2, s6;
	(pc) =	sbr.rel .LBB2_1-.Ltmp0, $4  }
0xb: {  	v0 =	vlaneseq.u32;
	s8 =	smul.u32 $0x180, s7;
	s7 =	sshll.u32 s7, $0x7;
	s31 =	sshrl.u32 s6, $0x1  }
0xc: {  	v1 =	vmul.u32 $0x80, v0;
	_ =	strace $0x80000047;
	s7 =	sadd.s32 s7, s5;
	s9 =	ssub.s32 s6, s31  }
0xd: {  	s8 =	sadd.s32 s8, s5;
	s6 =	sadd.s32 $0x3600, s7;
	s7 =	smax.u32 s9, $0x1  }
0xe: {  	v2 =	vor.u32 $0x2000, v1;
	v3 =	vor.u32 $0x1000, v1;
	s9 =	simm.s32 $0x400;
	s5 =	sadd.s32 $0x600, s8;
	s8 =	simm.s32 $0x3  }
.LBB2_5:
0xf: {  	s24 =	sadd.s32 $0x1, s24  }
0x10: {  	p0 =	sne.s32 s24, s7  }
.Ltmp1:
0x11: {  	_ = 	snop;
	(pc) =	sbr.rel @!p0 .LBB2_6-.Ltmp1, $4  }
0x12: {  	[hbm4b:s6+s4] =	stream.linear.scatter [tilespmem:s23], [sflag:$0x3], $0x400, $0x38;
	[tilespmem:$0x19000] =	vst v63  }
0x13: {  	_ =	swait.ge [sflag:s8], $0x400  }
0x14: {  	[sflag:s8] =	ssyncset.done $0x0  }
0x15: {  	[sflag:s8] =	ssyncadd.s32 $0xFFFFFC00  }
.LBB2_1:
0x16: {  	[tilespmem:s4], [sflag:$0x3] =	stream.linear.gather [hbm4b:s5+s4], $0xC00, $0x38;
	[tilespmem:$0x19000] =	vst v63  }
0x17: {  	_ =	swait.ge [sflag:s8], $0xC00  }
0x18: {  	[sflag:s8] =	ssyncset.done $0x0  }
0x19: {  	[sflag:s8] =	ssyncadd.s32 $0xFFFFF400  }
0x1a: {  	v4 =	vld.idx.msk [tilespmem:v0+s4+$0x0], $0xffff;
	_ =	sdelay $0x4  }
0x1b: {  	(v2sf) =	vpush v4, $0x0  }
0x1c: {  	(v2sf) =	vpush v4, $0x1;
	_ =	sdelay $0x4  }
0x1d: {  	(v2sf) =	vpush v4, $0x2;
	_ =	sdelay $0x2  }
0x1e: {  	(v2sf) =	vpush v4, $0x3;
	_ =	sdelay $0x5  }
0x1f: {  	s25 =	spop (v2sf);
	(v2sf) =	vpush v4, $0x4  }
0x20: {  	s0 =	spop (v2sf);
	(v2sf) =	vpush v4, $0x5;
	_ =	sdelay $0x1  }
0x21: {  	s25 =	sand.u32 $0xFFFFF80, s25  }
0x22: {  	s25 =	sadd.s32 s2, s25  }
0x23: {  	[tilespmem:s11], [sflag:$0x1] =	stream.strided.gather [hbm4b:s25+s9], $0x1000, s10, s9, $0x38;
	[tilespmem:$0x19000] =	vst v63  }
0x24: {  	s1 =	spop (v2sf);
	(v2sf) =	vpush v4, $0x6;
	s25 =	sand.u32 $0xFFFFF80, s0  }
0x25: {  	s0 =	simm.s32 $0x1C00;
	s25 =	sadd.s32 s3, s25  }
0x26: {  	(v2sf) =	vpush v4, $0x7;
	[tilespmem:s0], [sflag:$0x1] =	stream.strided.gather [hbm4b:s25+s9], $0x1000, s10, s9, $0x38;
	[tilespmem:$0x19000] =	vst v63  }
0x27: {  	s12 =	spop (v2sf);
	(v2sf) =	vpush v4, $0x8;
	s25 =	sand.u32 $0xFFFFF80, s1  }
0x28: {  	s25 =	sadd.s32 s2, s25  }
0x29: {  	[tilespmem:s13], [sflag:$0x1] =	stream.strided.gather [hbm4b:s25+s9], $0x1000, s10, s9, $0x38;
	[tilespmem:$0x19000] =	vst v63  }
0x2a: {  	s25 =	sand.u32 $0xFFFFF80, s12  }
0x2b: {  	s25 =	sadd.s32 s2, s25  }
0x2c: {  	[tilespmem:s14], [sflag:$0x1] =	stream.strided.gather [hbm4b:s25+s9], $0x1000, s10, s9, $0x38;
	[tilespmem:$0x19000] =	vst v63  }
0x2d: {  	s26 =	spop (v2sf);
	(v2sf) =	vpush v4, $0x9  }
0x2e: {  	s28 =	spop (v2sf);
	(v2sf) =	vpush v4, $0xA  }
0x2f: {  	s25 =	sand.u32 $0xFFFFF80, s26  }
0x30: {  	s25 =	sadd.s32 s3, s25  }
0x31: {  	[tilespmem:s15], [sflag:$0x1] =	stream.strided.gather [hbm4b:s25+s9], $0x1000, s10, s9, $0x38;
	[tilespmem:$0x19000] =	vst v63  }
0x32: {  	s25 =	sand.u32 $0xFFFFF80, s28  }
0x33: {  	s30 =	spop (v2sf);
	(v2sf) =	vpush v4, $0xB;
	s25 =	sadd.s32 s2, s25  }
0x34: {  	[tilespmem:s16], [sflag:$0x1] =	stream.strided.gather [hbm4b:s25+s9], $0x1000, s10, s9, $0x38;
	[tilespmem:$0x19000] =	vst v63  }
0x35: {  	s26 =	spop (v2sf);
	s25 =	sand.u32 $0xFFFFF80, s30  }
0x36: {  	s31 =	sand.u32 $0xFFFFF80, s26;
	s0 =	spop (v2sf);
	s25 =	sadd.s32 s2, s25  }
0x37: {  	[tilespmem:s17], [sflag:$0x1] =	stream.strided.gather [hbm4b:s25+s9], $0x1000, s10, s9, $0x38;
	[tilespmem:$0x19000] =	vst v63  }
0x38: {  	s1 =	sand.u32 $0xFFFFF80, s0;
	s25 =	sadd.s32 s3, s31  }
0x39: {  	[tilespmem:s18], [sflag:$0x1] =	stream.strided.gather [hbm4b:s25+s9], $0x1000, s10, s9, $0x38;
	[tilespmem:$0x19000] =	vst v63  }
0x3a: {  	s25 =	sadd.s32 s2, s1  }
0x3b: {  	[tilespmem:s19], [sflag:$0x1] =	stream.strided.gather [hbm4b:s25+s9], $0x1000, s10, s9, $0x38;
	[tilespmem:$0x19000] =	vst v63  }
0x3c: {  	s12 =	spop (v2sf)  }
0x3d: {  	s26 =	sand.u32 $0xFFFFF80, s12;
	s28 =	spop (v2sf)  }
0x3e: {  	s25 =	sadd.s32 s2, s26;
	s30 =	sand.u32 $0xFFFFF80, s28  }
0x3f: {  	[tilespmem:s20], [sflag:$0x1] =	stream.strided.gather [hbm4b:s25+s9], $0x1000, s10, s9, $0x38;
	[tilespmem:$0x19000] =	vst v63  }
0x40: {  	s25 =	sadd.s32 s3, s30  }
0x41: {  	[tilespmem:s21], [sflag:$0x1] =	stream.strided.gather [hbm4b:s25+s9], $0x1000, s10, s9, $0x38;
	[tilespmem:$0x19000] =	vst v63  }
.Ltmp2:
0x42: {  	s31 =	spop (v2sf);
	(pc) =	sbr.rel .LBB2_2-.Ltmp2, $4  }
0x43: {  	s25 =	sand.u32 $0xFFFFF80, s31  }
0x44: {  	s25 =	sadd.s32 s2, s25  }
0x45: {  	[tilespmem:s22], [sflag:$0x1] =	stream.strided.gather [hbm4b:s25+s9], $0x1000, s10, s9, $0x38;
	[tilespmem:$0x19000] =	vst v63  }
0x46: {  	s29 =	simm.s32 $0x0;
	v4 =	vimm.f32 $0.0e+00;
	s26 =	simm.s32 $0x0;
	s25 =	simm.s32 $0x0  }
.LBB2_4:
0x47: {  	s0 =	sand.u32 $0x1, s29  }
0x48: {  	s1 =	sadd.s32 $0x1, s0  }
0x49: {  	_ =	swait.ge [sflag:s1], $0x1000  }
0x4a: {  	[sflag:s1] =	ssyncset.done $0x0  }
0x4b: {  	[sflag:s1] =	ssyncadd.s32 $0xFFFFF000  }
0x4c: {  	_ =	swait.ge [sflag:s1], $0x1000  }
0x4d: {  	[sflag:s1] =	ssyncset.done $0x0  }
0x4e: {  	[sflag:s1] =	ssyncadd.s32 $0xFFFFF000  }
0x4f: {  	_ =	swait.ge [sflag:s1], $0x1000  }
0x50: {  	[sflag:s1] =	ssyncset.done $0x0  }
0x51: {  	[sflag:s1] =	ssyncadd.s32 $0xFFFFF000  }
0x52: {  	_ =	swait.ge [sflag:s1], $0x1000  }
0x53: {  	[sflag:s1] =	ssyncset.done $0x0  }
0x54: {  	[sflag:s1] =	ssyncadd.s32 $0xFFFFF000  }
0x55: {  	_ =	swait.ge [sflag:s1], $0x1000  }
0x56: {  	[sflag:s1] =	ssyncset.done $0x0  }
0x57: {  	[sflag:s1] =	ssyncadd.s32 $0xFFFFF000  }
0x58: {  	_ =	swait.ge [sflag:s1], $0x1000  }
0x59: {  	[sflag:s1] =	ssyncset.done $0x0  }
0x5a: {  	[sflag:s1] =	ssyncadd.s32 $0xFFFFF000  }
0x5b: {  	_ =	swait.ge [sflag:s1], $0x1000  }
0x5c: {  	[sflag:s1] =	ssyncset.done $0x0  }
0x5d: {  	[sflag:s1] =	ssyncadd.s32 $0xFFFFF000  }
0x5e: {  	_ =	swait.ge [sflag:s1], $0x1000  }
0x5f: {  	[sflag:s1] =	ssyncset.done $0x0  }
0x60: {  	[sflag:s1] =	ssyncadd.s32 $0xFFFFF000  }
0x61: {  	_ =	swait.ge [sflag:s1], $0x1000  }
0x62: {  	[sflag:s1] =	ssyncset.done $0x0  }
0x63: {  	[sflag:s1] =	ssyncadd.s32 $0xFFFFF000  }
0x64: {  	_ =	swait.ge [sflag:s1], $0x1000  }
0x65: {  	[sflag:s1] =	ssyncset.done $0x0  }
0x66: {  	v5 =	vadd.s32 s25, v0;
	[sflag:s1] =	ssyncadd.s32 $0xFFFFF000  }
0x67: {  	vm0 =	vlt.s32 v5, $0xBFF;
	_ =	swait.ge [sflag:s1], $0x1000  }
0x68: {  	v5 =	vnsel vm0, $0xBFF, v5;
	[sflag:s1] =	ssyncset.done $0x0  }
0x69: {  	[sflag:s1] =	ssyncadd.s32 $0xFFFFF000  }
0x6a: {  	_ =	swait.ge [sflag:s1], $0x1000  }
0x6b: {  	[sflag:s1] =	ssyncset.done $0x0  }
0x6c: {  	[sflag:s1] =	ssyncadd.s32 $0xFFFFF000  }
0x6d: {  	v5 =	vld.idx.msk [tilespmem:v5+s4+$0x0], $0xffff;
	_ =	sdelay $0x4  }
0x6e: {  	(v2sf) =	vpush v5, $0x0;
	_ =	sdelay $0x1  }
0x6f: {  	(v2sf) =	vpush v5, $0x1;
	_ =	sdelay $0x1  }
0x70: {  	(v2sf) =	vpush v5, $0x2;
	_ =	sdelay $0x1  }
0x71: {  	(v2sf) =	vpush v5, $0x3  }
0x72: {  	(v2sf) =	vpush v5, $0x4  }
0x73: {  	(v2sf) =	vpush v5, $0x5;
	_ =	sdelay $0x3  }
0x74: {  	s30 =	smul.u32 $0x180, s0;
	(v2sf) =	vpush v5, $0x6  }
0x75: {  	(v2sf) =	vpush v5, $0x7  }
0x76: {  	v6 =	vmov s30;
	s31 =	sor.u32 $0x10, s30  }
0x77: {  	v6 =	vshll.u32 v6, $0x7;
	v9 =	vmov s31;
	s1 =	spop (v2sf)  }
0x78: {  	v7 =	vor.u32 v1, v6;
	v9 =	vshll.u32 v9, $0x7;
	(v2sf) =	vpush v5, $0x8;
	s0 =	sand.u32 $0x7F, s1  }
0x79: {  	v10 =	vor.u32 v1, v9;
	s12 =	spop (v2sf);
	v7 =	vor.u32 s0, v7  }
0x7a: {  	v8 =	vor.u32 v3, v6;
	(v2sf) =	vpush v5, $0x9;
	s1 =	sand.u32 $0x7F, s12;
	v10 =	vor.u32 s0, v10  }
0x7b: {  	s31 =	sor.u32 $0x60, s30;
	v11 =	vor.u32 v3, v9;
	s12 =	spop (v2sf);
	(v2sf) =	vpush v5, $0xA;
	v8 =	vor.u32 s1, v8  }
0x7c: {  	v6 =	vor.u32 v2, v6;
	v12 =	vmov s31;
	s12 =	sand.u32 $0x7F, s12;
	v11 =	vor.u32 s1, v11  }
0x7d: {  	v9 =	vor.u32 v2, v9;
	v12 =	vshll.u32 v12, $0x7;
	s31 =	spop (v2sf);
	v6 =	vor.u32 s12, v6  }
0x7e: {  	v13 =	vor.u32 v1, v12;
	(v2sf) =	vpush v5, $0xB;
	v9 =	vor.u32 s12, v9;
	s0 =	sand.u32 $0x7F, s31;
	s1 =	spop (v2sf);
	s12 =	sor.u32 $0x70, s30;
	v7 =	vld.idx.msk [tilespmem:v7+s11+$0x0], $0xffff  }
0x7f: {  	v49 =	vadd.s32 v3, v12;
	s31 =	spop (v2sf);
	s1 =	sand.u32 $0x7F, s1;
	v48 =	vor.u32 s0, v13;
	v14 =	vmov s12;
	v10 =	vld.idx.msk [tilespmem:v10+s11+$0x0], $0xffff  }
0x80: {  	v12 =	vadd.s32 v2, v12;
	s12 =	sand.u32 $0x7F, s31;
	v13 =	vor.u32 s1, v49;
	v14 =	vshll.u32 v14, $0x7;
	v5 =	vld.idx.msk [tilespmem:v8+s11+$0x0], $0xffff  }
0x81: {  	s31 =	sadd.s32 $0xC0, s30;
	v12 =	vor.u32 s12, v12;
	v15 =	vor.u32 v1, v14;
	v16 =	vadd.s32 v3, v14;
	v11 =	vld.idx.msk [tilespmem:v11+s11+$0x0], $0xffff  }
0x82: {  	v17 =	vmov s31;
	v14 =	vadd.s32 v2, v14;
	v15 =	vor.u32 s0, v15;
	v6 =	vld.idx.msk [tilespmem:v6+s11+$0x0], $0xffff  }
0x83: {  	s31 =	spop (v2sf);
	v16 =	vor.u32 s1, v16;
	v17 =	vshll.u32 v17, $0x7;
	v14 =	vor.u32 s12, v14;
	s12 =	sadd.s32 $0xD0, s30;
	v9 =	vld.idx.msk [tilespmem:v9+s11+$0x0], $0xffff  }
0x84: {  	s1 =	spop (v2sf);
	s0 =	sand.u32 $0x7F, s31;
	v18 =	vor.u32 v1, v17;
	v20 =	vmov s12;
	v8 =	vld.idx.msk [tilespmem:v48+s11+$0x0], $0xffff  }
0x85: {  	s1 =	sand.u32 $0x7F, s1;
	v19 =	vor.u32 v3, v17;
	v18 =	vor.u32 s0, v18;
	v20 =	vshll.u32 v20, $0x7;
	v13 =	vld.idx.msk [tilespmem:v13+s11+$0x0], $0xffff  }
0x86: {  	v19 =	vor.u32 s1, v19;
	v21 =	vor.u32 v1, v20;
	v22 =	vor.u32 v3, v20;
	v12 =	vld.idx.msk [tilespmem:v12+s11+$0x0], $0xffff  }
0x87: {  	v21 =	vor.u32 s0, v21;
	v22 =	vor.u32 s1, v22;
	s1 =	sadd.s32 $0x130, s30;
	v15 =	vld.idx.msk [tilespmem:v15+s11+$0x0], $0xffff;
	s31 =	spop (v2sf)  }
0x88: {  	v17 =	vadd.s32 v2, v17;
	v16 =	vld.idx.msk [tilespmem:v16+s11+$0x0], $0xffff;
	v25 =	vmov s1;
	s12 =	sand.u32 $0x7F, s31  }
0x89: {  	v20 =	vadd.s32 v2, v20;
	v14 =	vld.idx.msk [tilespmem:v14+s11+$0x0], $0xffff;
	v25 =	vshll.u32 v25, $0x7;
	s31 =	sadd.s32 $0x120, s30;
	s0 =	spop (v2sf);
	v17 =	vor.u32 s12, v17  }
0x8a: {  	v18 =	vld.idx.msk [tilespmem:v18+s11+$0x0], $0xffff;
	v27 =	vor.u32 v1, v25;
	v23 =	vmov s31;
	s31 =	spop (v2sf);
	v20 =	vor.u32 s12, v20;
	s0 =	sand.u32 $0x7F, s0  }
0x8b: {  	v19 =	vld.idx.msk [tilespmem:v19+s11+$0x0], $0xffff;
	v28 =	vadd.s32 v3, v25;
	v23 =	vshll.u32 v23, $0x7;
	s1 =	sand.u32 $0x7F, s31;
	v27 =	vor.u32 s0, v27  }
0x8c: {  	v21 =	vld.idx.msk [tilespmem:v21+s11+$0x0], $0xffff;
	v24 =	vor.u32 v1, v23;
	v51 =	vor.u32 s1, v28  }
0x8d: {  	v5 =	vadd.f32 v5, v7;
	v7 =	vld.idx.msk [tilespmem:v22+s11+$0x0], $0xffff;
	s31 =	spop (v2sf);
	v26 =	vadd.s32 v3, v23;
	v24 =	vor.u32 s0, v24  }
0x8e: {  	s30 =	sand.u32 $0x7F, s31;
	v50 =	vor.u32 v2, v23;
	v26 =	vor.u32 s1, v26;
	v17 =	vld.idx.msk [tilespmem:v17+s11+$0x0], $0xffff  }
0x8f: {  	v54 =	vor.u32 v2, v25;
	v53 =	vor.u32 s30, v50;
	v52 =	vld.idx.msk [tilespmem:v20+s11+$0x0], $0xffff  }
0x90: {  	v10 =	vadd.f32 v11, v10;
	v22 =	vor.u32 s30, v54;
	v56 =	vld.idx.msk [tilespmem:v27+s11+$0x0], $0xffff  }
0x91: {  	v23 =	vld.idx.msk [tilespmem:v51+s11+$0x0], $0xffff  }
0x92: {  	v5 =	vsub.f32 v5, v6;
	v6 =	vsub.f32 v10, v9;
	v24 =	vld.idx.msk [tilespmem:v24+s11+$0x0], $0xffff  }
0x93: {  	v8 =	vadd.f32 v13, v8;
	v55 =	vld.idx.msk [tilespmem:v26+s11+$0x0], $0xffff  }
0x94: {  	v5 =	vmul.f32 v5, v5;
	v6 =	vmul.f32 v6, v6;
	v58 =	vld.idx.msk [tilespmem:v53+s11+$0x0], $0xffff  }
0x95: {  	v57 =	vadd.f32 v16, v15;
	v8 =	vsub.f32 v8, v12;
	v59 =	vld.idx.msk [tilespmem:v22+s11+$0x0], $0xffff  }
0x96: {  	v5 =	vadd.f32 v6, v5;
	v6 =	vadd.f32 v19, v18  }
0x97: {  	v60 =	vsub.f32 v57, v14;
	v7 =	vadd.f32 v7, v21  }
0x98: {  	v8 =	vmul.f32 v8, v8;
	v10 =	vadd.f32 v23, v56;
	v9 =	vadd.f32 v55, v24  }
0x99: {  	v61 =	vmul.f32 v60, v60;
	v6 =	vsub.f32 v6, v17;
	v7 =	vsub.f32 v7, v52  }
0x9a: {  	v10 =	vsub.f32 v10, v59;
	v9 =	vsub.f32 v9, v58  }
0x9b: {  	v8 =	vadd.f32 v61, v8;
	v6 =	vmul.f32 v6, v6;
	v7 =	vmul.f32 v7, v7  }
0x9c: {  	(xrf2) =	vadd.scan.msk.f32 $0xffff, v5;
	v62 =	vmul.f32 v10, v10;
	v5 =	vmul.f32 v9, v9  }
0x9d: {  	(xrf2) =	vadd.scan.msk.f32 $0xffff, v8;
	v6 =	vadd.f32 v7, v6  }
0x9e: {  	v5 =	vadd.f32 v62, v5  }
0x9f: {  	(xrf2) =	vadd.scan.msk.f32 $0xffff, v6  }
0xa0: {  	(xrf2) =	vadd.scan.msk.f32 $0xffff, v5;
	_ =	sdelay $0x4  }
0xa1: {  	s31 =	sand.u32 $0xC, s26  }
0xa2: {  	s12 =	sor.u32 $0x1, s31;
	v7 =	vmov s31;
	v5, _, _ =	vpop (xrf2)  }
0xa3: {  	vm12 =	veq.s32 v7, v0;
	v7 =	vmov s12;
	v6, _, _ =	vpop (xrf2);
	v5 =	vbroadcast v5, $0xF  }
0xa4: {  	v6 =	vbroadcast v6, $0xF  }
0xa5: {  	s30 =	sor.u32 $0x2, s31;
	vm13 =	veq.s32 v7, v0;
	v63, _, _ =	vpop (xrf2);
	v4 =	vsel vm12, v5, v4  }
0xa6: {  	s0 =	sor.u32 $0x3, s31;
	v5 =	vmov s30;
	v4 =	vsel vm13, v6, v4;
	v6 =	vbroadcast v63, $0xF;
	v7, _, _ =	vpop (xrf2)  }
0xa7: {  	vm14 =	veq.s32 v5, v0;
	v5 =	vmov s0;
	v7 =	vbroadcast v7, $0xF  }
0xa8: {  	s31 =	sand.u32 $0x3, s29;
	vm15 =	veq.s32 v5, v0;
	v4 =	vsel vm14, v6, v4  }
0xa9: {  	p0 =	sne.s32 s31, $0x3;
	v4 =	vsel vm15, v7, v4  }
0xaa: {  	v5 =	vmax.f32 @!p0 v4, $1.000000000e-30  }
0xab: {  	v6 =	vshrl.u32 @!p0 v5, $0x1;
	v7 =	vmul.f32 @!p0 $5.000000000e-01, v5  }
0xac: {  	v6 =	vsub.s32 @!p0 $0x5F3759DF, v6  }
0xad: {  	v8 =	vmul.f32 @!p0 v6, v7;
	_ =	sdelay $0x1  }
0xae: {  	v8 =	vmul.f32 @!p0 v6, v8;
	_ =	sdelay $0x1  }
0xaf: {  	v8 =	vsub.f32 @!p0 $1.500000000e+00, v8;
	_ =	sdelay $0x1  }
0xb0: {  	v6 =	vmul.f32 @!p0 v6, v8;
	_ =	sdelay $0x1  }
0xb1: {  	v8 =	vmul.f32 @!p0 v6, v7;
	_ =	sdelay $0x1  }
0xb2: {  	v8 =	vmul.f32 @!p0 v8, v6;
	_ =	sdelay $0x1  }
0xb3: {  	v8 =	vsub.f32 @!p0 $1.500000000e+00, v8;
	_ =	sdelay $0x1  }
0xb4: {  	v6 =	vmul.f32 @!p0 v8, v6;
	_ =	sdelay $0x1  }
0xb5: {  	v7 =	vmul.f32 @!p0 v6, v7;
	_ =	sdelay $0x1  }
0xb6: {  	v7 =	vmul.f32 @!p0 v7, v6;
	_ =	sdelay $0x1  }
0xb7: {  	v7 =	vsub.f32 @!p0 $1.500000000e+00, v7  }
0xb8: {  	p1 =	sne.s32 s28, $0x100  }
.Ltmp3:
0xb9: {  	v6 =	vmul.f32 @!p0 v7, v6;
	(pc) =	sbr.rel @!p1 .LBB2_5-.Ltmp3, $4  }
0xba: {  	_ = 	snop  }
0xbb: {  	v5 =	vmul.f32 @!p0 v6, v5  }
0xbc: {  	s0 =	sand.u32 @!p0 $0x3F0, s26  }
0xbd: {  	s25 =	sadd.s32 $0xC, s25;
	s29 =	smov.u32 s28;
	s26 =	sadd.s32 $0x4, s26;
	[tilespmem:s0+$0x18C00] =	vst @!p0 v5  }
.LBB2_2:
0xbe: {  	p0 =	seq.s32 s29, $0xFF  }
.Ltmp4:
0xbf: {  	_ = 	snop;
	(pc) =	sbr.rel @p0 .LBB2_4-.Ltmp4, $2  }
0xc0: {  	_ =	sdelay $0x2  }
0xc1: {  	s28 =	sadd.s32 $0x1, s29  }
0xc2: {  	s30 =	sadd.s32 $0xC, s25  }
0xc3: {  	v5 =	vadd.s32 s30, v0  }
0xc4: {  	vm0 =	vlt.s32 v5, $0xBFF  }
0xc5: {  	v5 =	vnsel vm0, $0xBFF, v5;
	_ =	sdelay $0x4  }
0xc6: {  	v5 =	vld.idx.msk [tilespmem:v5+s4+$0x0], $0xffff;
	_ =	sdelay $0x4  }
0xc7: {  	(v2sf) =	vpush v5, $0x0;
	_ =	sdelay $0x3  }
0xc8: {  	(v2sf) =	vpush v5, $0x1;
	_ =	sdelay $0x1  }
0xc9: {  	(v2sf) =	vpush v5, $0x2;
	_ =	sdelay $0x3  }
0xca: {  	(v2sf) =	vpush v5, $0x3;
	_ =	sdelay $0x2  }
0xcb: {  	s0 =	sand.u32 $0x1, s28  }
0xcc: {  	s31 =	smul.u32 $0x30000, s0  }
0xcd: {  	s1 =	spop (v2sf);
	(v2sf) =	vpush v5, $0x4  }
0xce: {  	s31 =	sshrl.u32 s31, $0x2;
	s1 =	sand.u32 $0xFFFFF80, s1  }
0xcf: {  	s30 =	sadd.s32 $0x1, s0;
	s0 =	sor.u32 $0xC00, s31;
	s1 =	sadd.s32 s2, s1  }
0xd0: {  	[tilespmem:s0], [sflag:s30] =	stream.strided.gather [hbm4b:s1+s9], $0x1000, s10, s9, $0x38;
	[tilespmem:$0x19000] =	vst v63  }
0xd1: {  	s1 =	spop (v2sf);
	(v2sf) =	vpush v5, $0x5;
	_ =	sdelay $0x1  }
0xd2: {  	s0 =	sand.u32 $0xFFFFF80, s1;
	s1 =	spop (v2sf);
	(v2sf) =	vpush v5, $0x6;
	_ =	sdelay $0x1  }
0xd3: {  	s12 =	sor.u32 $0x1C00, s31;
	s0 =	sadd.s32 s3, s0  }
0xd4: {  	[tilespmem:s12], [sflag:s30] =	stream.strided.gather [hbm4b:s0+s9], $0x1000, s10, s9, $0x38;
	[tilespmem:$0x19000] =	vst v63  }
0xd5: {  	s0 =	sand.u32 $0xFFFFF80, s1;
	s1 =	spop (v2sf);
	(v2sf) =	vpush v5, $0x7;
	_ =	sdelay $0x2  }
0xd6: {  	s12 =	sor.u32 $0x2C00, s31;
	s0 =	sadd.s32 s2, s0  }
0xd7: {  	[tilespmem:s12], [sflag:s30] =	stream.strided.gather [hbm4b:s0+s9], $0x1000, s10, s9, $0x38;
	[tilespmem:$0x19000] =	vst v63  }
0xd8: {  	s0 =	sand.u32 $0xFFFFF80, s1;
	s1 =	spop (v2sf);
	(v2sf) =	vpush v5, $0x8  }
0xd9: {  	s12 =	sor.u32 $0x3C00, s31;
	s0 =	sadd.s32 s2, s0  }
0xda: {  	[tilespmem:s12], [sflag:s30] =	stream.strided.gather [hbm4b:s0+s9], $0x1000, s10, s9, $0x38;
	[tilespmem:$0x19000] =	vst v63  }
0xdb: {  	s0 =	sand.u32 $0xFFFFF80, s1  }
0xdc: {  	s12 =	sadd.s32 $0x4C00, s31;
	s0 =	sadd.s32 s3, s0;
	s1 =	spop (v2sf);
	(v2sf) =	vpush v5, $0x9  }
0xdd: {  	[tilespmem:s12], [sflag:s30] =	stream.strided.gather [hbm4b:s0+s9], $0x1000, s10, s9, $0x38;
	[tilespmem:$0x19000] =	vst v63  }
0xde: {  	s0 =	sand.u32 $0xFFFFF80, s1;
	s1 =	spop (v2sf);
	(v2sf) =	vpush v5, $0xA  }
0xdf: {  	s12 =	sadd.s32 $0x5C00, s31;
	s0 =	sadd.s32 s2, s0  }
0xe0: {  	[tilespmem:s12], [sflag:s30] =	stream.strided.gather [hbm4b:s0+s9], $0x1000, s10, s9, $0x38;
	[tilespmem:$0x19000] =	vst v63  }
0xe1: {  	s0 =	sand.u32 $0xFFFFF80, s1  }
0xe2: {  	s12 =	sadd.s32 $0x6C00, s31;
	s1 =	spop (v2sf);
	s0 =	sadd.s32 s2, s0  }
0xe3: {  	[tilespmem:s12], [sflag:s30] =	stream.strided.gather [hbm4b:s0+s9], $0x1000, s10, s9, $0x38;
	[tilespmem:$0x19000] =	vst v63  }
0xe4: {  	(v2sf) =	vpush v5, $0xB;
	s0 =	sand.u32 $0xFFFFF80, s1  }
0xe5: {  	s12 =	sadd.s32 $0x7C00, s31;
	s0 =	sadd.s32 s3, s0  }
0xe6: {  	[tilespmem:s12], [sflag:s30] =	stream.strided.gather [hbm4b:s0+s9], $0x1000, s10, s9, $0x38;
	[tilespmem:$0x19000] =	vst v63  }
0xe7: {  	s1 =	spop (v2sf)  }
0xe8: {  	s0 =	sand.u32 $0xFFFFF80, s1  }
0xe9: {  	s12 =	sadd.s32 $0x8C00, s31;
	s0 =	sadd.s32 s2, s0  }
0xea: {  	[tilespmem:s12], [sflag:s30] =	stream.strided.gather [hbm4b:s0+s9], $0x1000, s10, s9, $0x38;
	[tilespmem:$0x19000] =	vst v63  }
0xeb: {  	s1 =	spop (v2sf)  }
0xec: {  	s0 =	sand.u32 $0xFFFFF80, s1  }
0xed: {  	s12 =	sadd.s32 $0x9C00, s31;
	s1 =	spop (v2sf);
	s0 =	sadd.s32 s2, s0  }
0xee: {  	[tilespmem:s12], [sflag:s30] =	stream.strided.gather [hbm4b:s0+s9], $0x1000, s10, s9, $0x38;
	[tilespmem:$0x19000] =	vst v63  }
0xef: {  	s0 =	sand.u32 $0xFFFFF80, s1  }
0xf0: {  	s12 =	sadd.s32 $0xAC00, s31;
	s0 =	sadd.s32 s3, s0  }
0xf1: {  	[tilespmem:s12], [sflag:s30] =	stream.strided.gather [hbm4b:s0+s9], $0x1000, s10, s9, $0x38;
	[tilespmem:$0x19000] =	vst v63  }
.Ltmp5:
0xf2: {  	_ = 	snop;
	(pc) =	sbr.rel .LBB2_4-.Ltmp5, $4  }
0xf3: {  	s12 =	spop (v2sf)  }
0xf4: {  	s0 =	sand.u32 $0xFFFFF80, s12  }
0xf5: {  	s31 =	sadd.s32 $0xBC00, s31;
	s0 =	sadd.s32 s2, s0  }
0xf6: {  	[tilespmem:s31], [sflag:s30] =	stream.strided.gather [hbm4b:s0+s9], $0x1000, s10, s9, $0x38;
	[tilespmem:$0x19000] =	vst v63  }
.LBB2_6:
0xf7: {  	_ =	sfence.sel $0x180000  }
0xf8: {  	[bflag:$0x0] =	sbarrier.arrive $0xFFFF  }
0xf9: {  	_ =	strace $0x90000047  }
0xfa: {  	s0 =	stileid.u32;
	[bflag:$0x2] =	sbarrier.arrive $0xFFFF  }
0xfb: {  	p0 =	sne.s32 s0, $0x0;
	s0 =	rddreg [dreg:$0x3]  }
0xfc: {  	s0 =	sadd.s32 @!p0 $0x100000, s0  }
0xfd: {  	[sflag:s0] =	ssyncadd.tile.s32 @!p0 $0x1;
	_ =	shalt  }
.Lfunc_end2:
_tile_overlayer_lowered:
.L_overlay_start_2:
0xfe: {  	(tag) =	ssettag $0x2  }
0xff: {  	s0 =	rddreg [dreg:$0x0];
	s2 =	stileid.u32  }
0x100: {  	s1 =	rddreg [dreg:$0x1];
	p0 =	sne.s32 s2, $0x0  }
0x101: {  	s3 =	rddreg [dreg:$0x2];
	[bflag:$0x3] =	sbarrier.arrive $0xFFFF;
	s2 =	simm.s32 @!p0 $0x1C03  }
0x102: {  	[timem:s3], [sflag:s2] =	dma.local @!p0 [hbm:s0], s1  }
0x103: {  	s0 =	simm.s32 @!p0 $0x3  }
0x104: {  	_ =	swait.ge @!p0 [sflag:s0], s1  }
0x105: {  	s1 =	ssub.s32 @!p0 $0x0, s1;
	[sflag:s0] =	ssyncset.done @!p0 $0x0  }
0x106: {  	[sflag:s0] =	ssyncadd.s32 @!p0 s1  }
0x107: {  	[bflag:$0x3] =	sbarrier.arrive $0xFFFF  }
0x108: {  	_ =	shalt  }

</sc_bundles>
